<compile_context>
chip_gen: v7x
topology: tpu7x:2x2x1
jax: 0.10.2.dev20260603
libtpu: 0.0.44.dev20260713+nightly
codegen_flags: <defaults>
</compile_context>

<pallas_src>
import functools

import jax
import jax.numpy as jnp
from jax import lax
from jax.experimental import pallas as pl
from jax.experimental.pallas import tpu as pltpu
from jax.experimental.pallas import tpu_sc as plsc

_B = 4096
_L = 200
_E = 64
_H = 256
_C = 4
_V = 1000000
_EP = 128

_NC = 2
_NS = 16
_NW = _NC * _NS
_SPW = _B // _NW
_CHUNK = 100
_CPS = _L // _CHUNK
_CPW = _SPW * _CPS
_SLOT = 104
_BUFROWS = _CPS * _SLOT


def _sc_body(x_hbm, table_hbm, out_hbm, idx_v, rows_v, h_v, sem0, sem1):
    wid = lax.axis_index("s") * _NC + lax.axis_index("c")
    pltpu.sync_copy(x_hbm.at[wid], idx_v)

    def issue(s, buf, sem):
        c0 = s * _CPS
        base = buf * _BUFROWS
        pltpu.async_copy(
            table_hbm.at[idx_v.at[c0]],
            rows_v.at[pl.ds(base, _CHUNK)], sem)
        pltpu.async_copy(
            table_hbm.at[idx_v.at[c0 + 1]],
            rows_v.at[pl.ds(base + _SLOT, _CHUNK)], sem)

    def wait_buf(buf, sem):
        pltpu.make_async_copy(
            table_hbm.at[pl.ds(0, 2 * _CHUNK)],
            rows_v.at[pl.ds(buf * _BUFROWS, 2 * _CHUNK)], sem).wait()

    def reduce(s, buf):
        def chunk_sum(base, accs):
            def rbody(r, a):
                a0, a1, a2, a3 = a
                row = base + r
                return (a0 + rows_v[row, pl.ds(0, 16)],
                        a1 + rows_v[row, pl.ds(16, 16)],
                        a2 + rows_v[row, pl.ds(32, 16)],
                        a3 + rows_v[row, pl.ds(48, 16)])
            return lax.fori_loop(0, _CHUNK, rbody, accs, unroll=10)

        z = jnp.zeros((16,), jnp.float32)
        accs = chunk_sum(buf * _BUFROWS, (z, z, z, z))
        a0, a1, a2, a3 = chunk_sum(buf * _BUFROWS + _SLOT, accs)
        h_v[s, pl.ds(0, 16)] = a0
        h_v[s, pl.ds(16, 16)] = a1
        h_v[s, pl.ds(32, 16)] = a2
        h_v[s, pl.ds(48, 16)] = a3

    issue(0, 0, sem0)

    def body(i, carry):
        s = i * 2
        issue(s + 1, 1, sem1)
        wait_buf(0, sem0)
        reduce(s, 0)

        @pl.when(s + 2 < _SPW)
        def _():
            issue(s + 2, 0, sem0)

        wait_buf(1, sem1)
        reduce(s + 1, 1)
        return carry

    lax.fori_loop(0, _SPW // 2, body, 0)
    pltpu.sync_copy(h_v, out_hbm.at[pl.ds(wid * _SPW, _SPW)])


_sc_pool = functools.partial(
    pl.kernel,
    out_type=jax.ShapeDtypeStruct((_B, _E), jnp.float32),
    mesh=plsc.VectorSubcoreMesh(core_axis_name="c", subcore_axis_name="s"),
    compiler_params=pltpu.CompilerParams(use_tc_tiling_on_sc=False),
    scratch_types=[
        pltpu.VMEM((_CPW, _CHUNK), jnp.int32),
        pltpu.VMEM((2 * _BUFROWS, _E), jnp.float32),
        pltpu.VMEM((_SPW, _E), jnp.float32),
        pltpu.SemaphoreType.DMA,
        pltpu.SemaphoreType.DMA,
    ],
)(_sc_body)


_ACOLS = 4096


def _pack_body(tt_ref, o_ref):
    tr = tt_ref[...].T
    h = _ACOLS // 2
    o_ref[...] = jnp.concatenate([tr[:h], tr[h:]], axis=1)


def _pack(table_t):
    grid = (_V + _ACOLS - 1) // _ACOLS
    return pl.pallas_call(
        _pack_body,
        grid=(grid,),
        in_specs=[pl.BlockSpec((_E, _ACOLS), lambda i: (0, i))],
        out_specs=pl.BlockSpec((_ACOLS // 2, 2 * _E), lambda i: (i, 0)),
        out_shape=jax.ShapeDtypeStruct((grid * _ACOLS // 2, 2 * _E),
                                       jnp.float32),
    )(table_t)


def _mlp_body(h_ref, w1_ref, b1_ref, w2_ref, b2_ref, o_ref):
    h = h_ref[...] * (1.0 / _L)
    z = jnp.dot(h, w1_ref[...], preferred_element_type=jnp.float32)
    z = jnp.maximum(z + b1_ref[...], 0.0)
    o_ref[...] = (jnp.dot(z, w2_ref[...], preferred_element_type=jnp.float32)
                  + b2_ref[...])


def kernel(x, table, W1, b1, W2, b2):
    vi = x.astype(jnp.int32)
    lin = ((((vi >> 12) << 11) + (vi & 2047)) * 2) + ((vi >> 11) & 1)
    xi = lin.reshape(_NW, _CPW, _CHUNK)
    tp = _pack(table.T)
    h_sum = _sc_pool(xi, tp.reshape(2 * tp.shape[0], _E))
    out = pl.pallas_call(
        _mlp_body,
        out_shape=jax.ShapeDtypeStruct((_B, _C), jnp.float32),
    )(h_sum, W1, b1.reshape(1, _H), W2, b2.reshape(1, _C))
    return out

# --- scband reference (transcript-rebuilt; emitter-appended) ---
"""Pipeline reference for scband-cbow-498216206660 (READ-ONLY COPY).

The authoritative reference and input builder live on the scoring server;
editing this copy changes nothing except your own understanding.
"""

import jax, jax.numpy as jnp
import numpy as np

VOCAB = 1000000
EMBED = 64
HIDDEN = 256
NCLASS = 4
B = 4096
L = 200

def setup_inputs(seed: int = 0) -> dict:
    key = jax.random.key(seed)
    k1, k2, k3, k4, k5, k6 = jax.random.split(key, 6)
    x = jax.random.randint(k1, (B, L), 0, VOCAB, dtype=jnp.int64 if jax.config.jax_enable_x64 else jnp.int32)
    table = jax.random.normal(k2, (VOCAB, EMBED), dtype=jnp.float32)
    W1 = jax.random.normal(k3, (EMBED, HIDDEN), dtype=jnp.float32) * (1.0 / np.sqrt(EMBED))
    b1 = jax.random.normal(k4, (HIDDEN,), dtype=jnp.float32) * 0.01
    W2 = jax.random.normal(k5, (HIDDEN, NCLASS), dtype=jnp.float32) * (1.0 / np.sqrt(HIDDEN))
    b2 = jax.random.normal(k6, (NCLASS,), dtype=jnp.float32) * 0.01
    return {"x": x, "table": table, "W1": W1, "b1": b1, "W2": W2, "b2": b2}

def reference(x, table, W1, b1, W2, b2):
    # embedding lookup: [B, L] -> [B, L, E]
    emb = jnp.take(table, x, axis=0)
    # mean over sequence dim
    h = jnp.mean(emb, axis=1)
    # dropout is identity in eval mode
    h = jnp.maximum(h @ W1 + b1, 0.0)
    out = h @ W2 + b2
    return out

if __name__ == "__main__":
    import jax
    _d = setup_inputs()
    print(jax.jit(kernel)(*tuple(_d.values())))

</pallas_src>

<mosaic_0001>
#map = affine_map<(d0, d1) -> (0, 0, 0)>
#map1 = affine_map<(d0, d1) -> (0, 0)>
module attributes {stable_mosaic.version = 14 : i64} {
  func.func @_sc_body(%arg0: i32, %arg1: i32, %arg2: memref<32x256x100xi32, #tpu.memory_space<hbm>>, %arg3: memref<1003520x64xf32, #tpu.memory_space<hbm>>, %arg4: memref<4096x64xf32, #tpu.memory_space<hbm>>, %arg5: memref<256x100xi32, #tpu.memory_space<vmem>>, %arg6: memref<416x64xf32, #tpu.memory_space<vmem>>, %arg7: memref<128x64xf32, #tpu.memory_space<vmem>>, %arg8: memref<!tpu.dma_semaphore, #tpu.memory_space<semaphore_mem>>, %arg9: memref<!tpu.dma_semaphore, #tpu.memory_space<semaphore_mem>>) attributes {dimension_semantics = [#tpu.dimension_semantics<core_parallel>, #tpu.dimension_semantics<subcore_parallel>], iteration_bounds = array<i64: 2, 16>, scalar_prefetch = 0 : i64, scratch_operands = 5 : i64, tpu.core_type = #tpu.core_type<sc_vector_subcore>, window_params = [{transform_indices = #map}, {transform_indices = #map1}, {transform_indices = #map1}]} {
    %mul3A = arith.constant 2 : i32
    %mul3A_0 = arith.muli %arg1, %mul3A : i32
    %add3A = arith.addi %mul3A_0, %arg0 : i32
    "tpu.region"() ({
      %run_scoped3A = tpu.sem_alloc : memref<!tpu.dma_semaphore, #tpu.memory_space<semaphore_mem>>
      %dma_start3A_27 = arith.constant 0 : i32
      %dma_start3A_28 = arith.constant 0 : i32
      %dma_start3A_29 = tpu.memref_slice %arg2[%add3A, %dma_start3A_27, %dma_start3A_28] : memref<32x256x100xi32, #tpu.memory_space<hbm>> -> memref<1x256x100xi32, #tpu.memory_space<hbm>>
      %dma_start3A_30 = tpu.memref_squeeze %dma_start3A_29 : memref<1x256x100xi32, #tpu.memory_space<hbm>> -> memref<256x100xi32, #tpu.memory_space<hbm>>
      %dma_start3A_31 = arith.constant 0 : i32
      %dma_start3A_32 = arith.constant 0 : i32
      %dma_start3A_33 = tpu.memref_slice %arg2[%add3A, %dma_start3A_31, %dma_start3A_32] : memref<32x256x100xi32, #tpu.memory_space<hbm>> -> memref<1x256x100xi32, #tpu.memory_space<hbm>>
      %dma_start3A_34 = tpu.memref_squeeze %dma_start3A_33 : memref<1x256x100xi32, #tpu.memory_space<hbm>> -> memref<256x100xi32, #tpu.memory_space<hbm>>
      tpu.enqueue_dma source(%dma_start3A_34 : memref<256x100xi32, #tpu.memory_space<hbm>>) target(%arg5 : memref<256x100xi32, #tpu.memory_space<vmem>>) target_semaphore(%run_scoped3A : memref<!tpu.dma_semaphore, #tpu.memory_space<semaphore_mem>>)
      %dma_wait3A = arith.constant 0 : i32
      %dma_wait3A_35 = arith.constant 0 : i32
      %dma_wait3A_36 = tpu.memref_slice %arg2[%add3A, %dma_wait3A, %dma_wait3A_35] : memref<32x256x100xi32, #tpu.memory_space<hbm>> -> memref<1x256x100xi32, #tpu.memory_space<hbm>>
      %dma_wait3A_37 = tpu.memref_squeeze %dma_wait3A_36 : memref<1x256x100xi32, #tpu.memory_space<hbm>> -> memref<256x100xi32, #tpu.memory_space<hbm>>
      %dma_wait3A_38 = arith.constant 0 : i32
      %dma_wait3A_39 = arith.constant 0 : i32
      %dma_wait3A_40 = tpu.memref_slice %arg2[%add3A, %dma_wait3A_38, %dma_wait3A_39] : memref<32x256x100xi32, #tpu.memory_space<hbm>> -> memref<1x256x100xi32, #tpu.memory_space<hbm>>
      %dma_wait3A_41 = tpu.memref_squeeze %dma_wait3A_40 : memref<1x256x100xi32, #tpu.memory_space<hbm>> -> memref<256x100xi32, #tpu.memory_space<hbm>>
      tpu.wait_dma2 semaphore(%run_scoped3A : memref<!tpu.dma_semaphore, #tpu.memory_space<semaphore_mem>>) src(%dma_wait3A_41 : memref<256x100xi32, #tpu.memory_space<hbm>>) dst(%arg5 : memref<256x100xi32, #tpu.memory_space<vmem>>)
      tpu.yield
    }) : () -> ()
    %dma_start3A = arith.constant 0 : i32
    %dma_start3A_1 = arith.constant 0 : i32
    %dma_start3A_2 = arith.constant 0 : i32
    %dma_start3A_3 = tpu.memref_slice %arg6[%dma_start3A_1, %dma_start3A_2] : memref<416x64xf32, #tpu.memory_space<vmem>> -> memref<100x64xf32, #tpu.memory_space<vmem>>
    %dma_start3A_4 = arith.constant 0 : i32
    %dma_start3A_5 = tpu.memref_slice %arg5[%dma_start3A, %dma_start3A_4] : memref<256x100xi32, #tpu.memory_space<vmem>> -> memref<1x100xi32, #tpu.memory_space<vmem>>
    %dma_start3A_6 = tpu.memref_squeeze %dma_start3A_5 : memref<1x100xi32, #tpu.memory_space<vmem>> -> memref<100xi32, #tpu.memory_space<vmem>>
    %dma_start3A_7 = arith.constant 0 : i32
    %dma_start3A_8 = arith.constant 0 : i32
    %dma_start3A_9 = tpu.memref_slice %arg3[%dma_start3A_7, %dma_start3A_8] : memref<1003520x64xf32, #tpu.memory_space<hbm>> -> memref<1003520x64xf32, #tpu.memory_space<hbm>>
    tpu.enqueue_indirect_dma source(%dma_start3A_9 : memref<1003520x64xf32, #tpu.memory_space<hbm>>) target(%dma_start3A_3 : memref<100x64xf32, #tpu.memory_space<vmem>>) offsets(%dma_start3A_6 : memref<100xi32, #tpu.memory_space<vmem>>) semaphore(%arg8 : memref<!tpu.dma_semaphore, #tpu.memory_space<semaphore_mem>>)
    %dma_start3A_10 = arith.constant 1 : i32
    %dma_start3A_11 = arith.constant 104 : i32
    %dma_start3A_12 = arith.constant 0 : i32
    %dma_start3A_13 = tpu.memref_slice %arg6[%dma_start3A_11, %dma_start3A_12] : memref<416x64xf32, #tpu.memory_space<vmem>> -> memref<100x64xf32, #tpu.memory_space<vmem>>
    %dma_start3A_14 = arith.constant 0 : i32
    %dma_start3A_15 = tpu.memref_slice %arg5[%dma_start3A_10, %dma_start3A_14] : memref<256x100xi32, #tpu.memory_space<vmem>> -> memref<1x100xi32, #tpu.memory_space<vmem>>
    %dma_start3A_16 = tpu.memref_squeeze %dma_start3A_15 : memref<1x100xi32, #tpu.memory_space<vmem>> -> memref<100xi32, #tpu.memory_space<vmem>>
    %dma_start3A_17 = arith.constant 0 : i32
    %dma_start3A_18 = arith.constant 0 : i32
    %dma_start3A_19 = tpu.memref_slice %arg3[%dma_start3A_17, %dma_start3A_18] : memref<1003520x64xf32, #tpu.memory_space<hbm>> -> memref<1003520x64xf32, #tpu.memory_space<hbm>>
    tpu.enqueue_indirect_dma source(%dma_start3A_19 : memref<1003520x64xf32, #tpu.memory_space<hbm>>) target(%dma_start3A_13 : memref<100x64xf32, #tpu.memory_space<vmem>>) offsets(%dma_start3A_16 : memref<100xi32, #tpu.memory_space<vmem>>) semaphore(%arg8 : memref<!tpu.dma_semaphore, #tpu.memory_space<semaphore_mem>>)
    %scan3A = arith.constant 0 : i32
    %scan3A_20 = arith.constant 0 : i32
    %scan3A_21 = arith.constant 64 : i32
    %scan3A_22 = arith.addi %scan3A_20, %scan3A_21 : i32
    %scan3A_23 = arith.constant 1 : i32
    scf.for %scan3A_27 = %scan3A_20 to %scan3A_22 step %scan3A_23  : i32 {
      %mul3A_28 = arith.constant 2 : i32
      %mul3A_29 = arith.muli %scan3A_27, %mul3A_28 : i32
      %add3A_30 = arith.constant 1 : i32
      %add3A_31 = arith.addi %mul3A_29, %add3A_30 : i32
      %mul3A_32 = arith.constant 2 : i32
      %mul3A_33 = arith.muli %add3A_31, %mul3A_32 : i32
      %dma_start3A_34 = arith.constant 208 : i32
      %dma_start3A_35 = arith.constant 0 : i32
      %dma_start3A_36 = tpu.memref_slice %arg6[%dma_start3A_34, %dma_start3A_35] : memref<416x64xf32, #tpu.memory_space<vmem>> -> memref<100x64xf32, #tpu.memory_space<vmem>>
      %dma_start3A_37 = arith.constant 0 : i32
      %dma_start3A_38 = tpu.memref_slice %arg5[%mul3A_33, %dma_start3A_37] : memref<256x100xi32, #tpu.memory_space<vmem>> -> memref<1x100xi32, #tpu.memory_space<vmem>>
      %dma_start3A_39 = tpu.memref_squeeze %dma_start3A_38 : memref<1x100xi32, #tpu.memory_space<vmem>> -> memref<100xi32, #tpu.memory_space<vmem>>
      %dma_start3A_40 = arith.constant 0 : i32
      %dma_start3A_41 = arith.constant 0 : i32
      %dma_start3A_42 = tpu.memref_slice %arg3[%dma_start3A_40, %dma_start3A_41] : memref<1003520x64xf32, #tpu.memory_space<hbm>> -> memref<1003520x64xf32, #tpu.memory_space<hbm>>
      tpu.enqueue_indirect_dma source(%dma_start3A_42 : memref<1003520x64xf32, #tpu.memory_space<hbm>>) target(%dma_start3A_36 : memref<100x64xf32, #tpu.memory_space<vmem>>) offsets(%dma_start3A_39 : memref<100xi32, #tpu.memory_space<vmem>>) semaphore(%arg9 : memref<!tpu.dma_semaphore, #tpu.memory_space<semaphore_mem>>)
      %add3A_43 = arith.constant 1 : i32
      %add3A_44 = arith.addi %mul3A_33, %add3A_43 : i32
      %dma_start3A_45 = arith.constant 312 : i32
      %dma_start3A_46 = arith.constant 0 : i32
      %dma_start3A_47 = tpu.memref_slice %arg6[%dma_start3A_45, %dma_start3A_46] : memref<416x64xf32, #tpu.memory_space<vmem>> -> memref<100x64xf32, #tpu.memory_space<vmem>>
      %dma_start3A_48 = arith.constant 0 : i32
      %dma_start3A_49 = tpu.memref_slice %arg5[%add3A_44, %dma_start3A_48] : memref<256x100xi32, #tpu.memory_space<vmem>> -> memref<1x100xi32, #tpu.memory_space<vmem>>
      %dma_start3A_50 = tpu.memref_squeeze %dma_start3A_49 : memref<1x100xi32, #tpu.memory_space<vmem>> -> memref<100xi32, #tpu.memory_space<vmem>>
      %dma_start3A_51 = arith.constant 0 : i32
      %dma_start3A_52 = arith.constant 0 : i32
      %dma_start3A_53 = tpu.memref_slice %arg3[%dma_start3A_51, %dma_start3A_52] : memref<1003520x64xf32, #tpu.memory_space<hbm>> -> memref<1003520x64xf32, #tpu.memory_space<hbm>>
      tpu.enqueue_indirect_dma source(%dma_start3A_53 : memref<1003520x64xf32, #tpu.memory_space<hbm>>) target(%dma_start3A_47 : memref<100x64xf32, #tpu.memory_space<vmem>>) offsets(%dma_start3A_50 : memref<100xi32, #tpu.memory_space<vmem>>) semaphore(%arg9 : memref<!tpu.dma_semaphore, #tpu.memory_space<semaphore_mem>>)
      %dma_wait3A = arith.constant 0 : i32
      %dma_wait3A_54 = arith.constant 0 : i32
      %dma_wait3A_55 = tpu.memref_slice %arg6[%dma_wait3A, %dma_wait3A_54] : memref<416x64xf32, #tpu.memory_space<vmem>> -> memref<200x64xf32, #tpu.memory_space<vmem>>
      %dma_wait3A_56 = arith.constant 0 : i32
      %dma_wait3A_57 = arith.constant 0 : i32
      %dma_wait3A_58 = tpu.memref_slice %arg3[%dma_wait3A_56, %dma_wait3A_57] : memref<1003520x64xf32, #tpu.memory_space<hbm>> -> memref<200x64xf32, #tpu.memory_space<hbm>>
      %dma_wait3A_59 = arith.constant 0 : i32
      %dma_wait3A_60 = arith.constant 0 : i32
      %dma_wait3A_61 = tpu.memref_slice %arg6[%dma_wait3A_59, %dma_wait3A_60] : memref<416x64xf32, #tpu.memory_space<vmem>> -> memref<200x64xf32, #tpu.memory_space<vmem>>
      %dma_wait3A_62 = arith.constant 0 : i32
      %dma_wait3A_63 = arith.constant 0 : i32
      %dma_wait3A_64 = tpu.memref_slice %arg3[%dma_wait3A_62, %dma_wait3A_63] : memref<1003520x64xf32, #tpu.memory_space<hbm>> -> memref<200x64xf32, #tpu.memory_space<hbm>>
      tpu.wait_dma2 semaphore(%arg8 : memref<!tpu.dma_semaphore, #tpu.memory_space<semaphore_mem>>) src(%dma_wait3A_64 : memref<200x64xf32, #tpu.memory_space<hbm>>) dst(%dma_wait3A_61 : memref<200x64xf32, #tpu.memory_space<vmem>>)
      %broadcast_in_dim3A = arith.constant 0.000000e+00 : f32
      %broadcast_in_dim3A_65 = vector.broadcast %broadcast_in_dim3A : f32 to vector<16xf32>
      %scan3A_66 = arith.constant 0 : i32
      %scan3A_67 = arith.constant 100 : i32
      %scan3A_68 = arith.addi %scan3A_66, %scan3A_67 : i32
      %scan3A_69 = arith.constant 10 : i32
      %scan3A_70:4 = scf.for %scan3A_149 = %scan3A_66 to %scan3A_68 step %scan3A_69 iter_args(%scan3A_150 = %broadcast_in_dim3A_65, %scan3A_151 = %broadcast_in_dim3A_65, %scan3A_152 = %broadcast_in_dim3A_65, %scan3A_153 = %broadcast_in_dim3A_65) -> (vector<16xf32>, vector<16xf32>, vector<16xf32>, vector<16xf32>)  : i32 {
        %add3A_154 = arith.constant 0 : i32
        %add3A_155 = arith.addi %add3A_154, %scan3A_149 : i32
        %get3A = arith.index_cast %add3A_155 : i32 to index
        %get3A_156 = arith.constant 0 : index
        %get3A_157 = tpu.vector_load %arg6[%get3A, %get3A_156] {strides = array<i32>} : memref<416x64xf32, #tpu.memory_space<vmem>>, vector<1x16xf32>,
        %get3A_158 = vector.shape_cast %get3A_157 : vector<1x16xf32> to vector<16xf32>
        %add3A_159 = arith.addf %scan3A_150, %get3A_158 : vector<16xf32>
        %get3A_160 = arith.index_cast %add3A_155 : i32 to index
        %get3A_161 = arith.constant 16 : index
        %get3A_162 = tpu.vector_load %arg6[%get3A_160, %get3A_161] {strides = array<i32>} : memref<416x64xf32, #tpu.memory_space<vmem>>, vector<1x16xf32>,
        %get3A_163 = vector.shape_cast %get3A_162 : vector<1x16xf32> to vector<16xf32>
        %add3A_164 = arith.addf %scan3A_151, %get3A_163 : vector<16xf32>
        %get3A_165 = arith.index_cast %add3A_155 : i32 to index
        %get3A_166 = arith.constant 32 : index
        %get3A_167 = tpu.vector_load %arg6[%get3A_165, %get3A_166] {strides = array<i32>} : memref<416x64xf32, #tpu.memory_space<vmem>>, vector<1x16xf32>,
        %get3A_168 = vector.shape_cast %get3A_167 : vector<1x16xf32> to vector<16xf32>
        %add3A_169 = arith.addf %scan3A_152, %get3A_168 : vector<16xf32>
        %get3A_170 = arith.index_cast %add3A_155 : i32 to index
        %get3A_171 = arith.constant 48 : index
        %get3A_172 = tpu.vector_load %arg6[%get3A_170, %get3A_171] {strides = array<i32>} : memref<416x64xf32, #tpu.memory_space<vmem>>, vector<1x16xf32>,
        %get3A_173 = vector.shape_cast %get3A_172 : vector<1x16xf32> to vector<16xf32>
        %add3A_174 = arith.addf %scan3A_153, %get3A_173 : vector<16xf32>
        %scan3A_175 = arith.constant 1 : i32
        %scan3A_176 = arith.addi %scan3A_149, %scan3A_175 : i32
        %add3A_177 = arith.constant 0 : i32
        %add3A_178 = arith.addi %add3A_177, %scan3A_176 : i32
        %get3A_179 = arith.index_cast %add3A_178 : i32 to index
        %get3A_180 = arith.constant 0 : index
        %get3A_181 = tpu.vector_load %arg6[%get3A_179, %get3A_180] {strides = array<i32>} : memref<416x64xf32, #tpu.memory_space<vmem>>, vector<1x16xf32>,
        %get3A_182 = vector.shape_cast %get3A_181 : vector<1x16xf32> to vector<16xf32>
        %add3A_183 = arith.addf %add3A_159, %get3A_182 : vector<16xf32>
        %get3A_184 = arith.index_cast %add3A_178 : i32 to index
        %get3A_185 = arith.constant 16 : index
        %get3A_186 = tpu.vector_load %arg6[%get3A_184, %get3A_185] {strides = array<i32>} : memref<416x64xf32, #tpu.memory_space<vmem>>, vector<1x16xf32>,
        %get3A_187 = vector.shape_cast %get3A_186 : vector<1x16xf32> to vector<16xf32>
        %add3A_188 = arith.addf %add3A_164, %get3A_187 : vector<16xf32>
        %get3A_189 = arith.index_cast %add3A_178 : i32 to index
        %get3A_190 = arith.constant 32 : index
        %get3A_191 = tpu.vector_load %arg6[%get3A_189, %get3A_190] {strides = array<i32>} : memref<416x64xf32, #tpu.memory_space<vmem>>, vector<1x16xf32>,
        %get3A_192 = vector.shape_cast %get3A_191 : vector<1x16xf32> to vector<16xf32>
        %add3A_193 = arith.addf %add3A_169, %get3A_192 : vector<16xf32>
        %get3A_194 = arith.index_cast %add3A_178 : i32 to index
        %get3A_195 = arith.constant 48 : index
        %get3A_196 = tpu.vector_load %arg6[%get3A_194, %get3A_195] {strides = array<i32>} : memref<416x64xf32, #tpu.memory_space<vmem>>, vector<1x16xf32>,
        %get3A_197 = vector.shape_cast %get3A_196 : vector<1x16xf32> to vector<16xf32>
        %add3A_198 = arith.addf %add3A_174, %get3A_197 : vector<16xf32>
        %scan3A_199 = arith.constant 2 : i32
        %scan3A_200 = arith.addi %scan3A_149, %scan3A_199 : i32
        %add3A_201 = arith.constant 0 : i32
        %add3A_202 = arith.addi %add3A_201, %scan3A_200 : i32
        %get3A_203 = arith.index_cast %add3A_202 : i32 to index
        %get3A_204 = arith.constant 0 : index
        %get3A_205 = tpu.vector_load %arg6[%get3A_203, %get3A_204] {strides = array<i32>} : memref<416x64xf32, #tpu.memory_space<vmem>>, vector<1x16xf32>,
        %get3A_206 = vector.shape_cast %get3A_205 : vector<1x16xf32> to vector<16xf32>
        %add3A_207 = arith.addf %add3A_183, %get3A_206 : vector<16xf32>
        %get3A_208 = arith.index_cast %add3A_202 : i32 to index
        %get3A_209 = arith.constant 16 : index
        %get3A_210 = tpu.vector_load %arg6[%get3A_208, %get3A_209] {strides = array<i32>} : memref<416x64xf32, #tpu.memory_space<vmem>>, vector<1x16xf32>,
        %get3A_211 = vector.shape_cast %get3A_210 : vector<1x16xf32> to vector<16xf32>
        %add3A_212 = arith.addf %add3A_188, %get3A_211 : vector<16xf32>
        %get3A_213 = arith.index_cast %add3A_202 : i32 to index
        %get3A_214 = arith.constant 32 : index
        %get3A_215 = tpu.vector_load %arg6[%get3A_213, %get3A_214] {strides = array<i32>} : memref<416x64xf32, #tpu.memory_space<vmem>>, vector<1x16xf32>,
        %get3A_216 = vector.shape_cast %get3A_215 : vector<1x16xf32> to vector<16xf32>
        %add3A_217 = arith.addf %add3A_193, %get3A_216 : vector<16xf32>
        %get3A_218 = arith.index_cast %add3A_202 : i32 to index
        %get3A_219 = arith.constant 48 : index
        %get3A_220 = tpu.vector_load %arg6[%get3A_218, %get3A_219] {strides = array<i32>} : memref<416x64xf32, #tpu.memory_space<vmem>>, vector<1x16xf32>,
        %get3A_221 = vector.shape_cast %get3A_220 : vector<1x16xf32> to vector<16xf32>
        %add3A_222 = arith.addf %add3A_198, %get3A_221 : vector<16xf32>
        %scan3A_223 = arith.constant 3 : i32
        %scan3A_224 = arith.addi %scan3A_149, %scan3A_223 : i32
        %add3A_225 = arith.constant 0 : i32
        %add3A_226 = arith.addi %add3A_225, %scan3A_224 : i32
        %get3A_227 = arith.index_cast %add3A_226 : i32 to index
        %get3A_228 = arith.constant 0 : index
        %get3A_229 = tpu.vector_load %arg6[%get3A_227, %get3A_228] {strides = array<i32>} : memref<416x64xf32, #tpu.memory_space<vmem>>, vector<1x16xf32>,
        %get3A_230 = vector.shape_cast %get3A_229 : vector<1x16xf32> to vector<16xf32>
        %add3A_231 = arith.addf %add3A_207, %get3A_230 : vector<16xf32>
        %get3A_232 = arith.index_cast %add3A_226 : i32 to index
        %get3A_233 = arith.constant 16 : index
        %get3A_234 = tpu.vector_load %arg6[%get3A_232, %get3A_233] {strides = array<i32>} : memref<416x64xf32, #tpu.memory_space<vmem>>, vector<1x16xf32>,
        %get3A_235 = vector.shape_cast %get3A_234 : vector<1x16xf32> to vector<16xf32>
        %add3A_236 = arith.addf %add3A_212, %get3A_235 : vector<16xf32>
        %get3A_237 = arith.index_cast %add3A_226 : i32 to index
        %get3A_238 = arith.constant 32 : index
        %get3A_239 = tpu.vector_load %arg6[%get3A_237, %get3A_238] {strides = array<i32>} : memref<416x64xf32, #tpu.memory_space<vmem>>, vector<1x16xf32>,
        %get3A_240 = vector.shape_cast %get3A_239 : vector<1x16xf32> to vector<16xf32>
        %add3A_241 = arith.addf %add3A_217, %get3A_240 : vector<16xf32>
        %get3A_242 = arith.index_cast %add3A_226 : i32 to index
        %get3A_243 = arith.constant 48 : index
        %get3A_244 = tpu.vector_load %arg6[%get3A_242, %get3A_243] {strides = array<i32>} : memref<416x64xf32, #tpu.memory_space<vmem>>, vector<1x16xf32>,
        %get3A_245 = vector.shape_cast %get3A_244 : vector<1x16xf32> to vector<16xf32>
        %add3A_246 = arith.addf %add3A_222, %get3A_245 : vector<16xf32>
        %scan3A_247 = arith.constant 4 : i32
        %scan3A_248 = arith.addi %scan3A_149, %scan3A_247 : i32
        %add3A_249 = arith.constant 0 : i32
        %add3A_250 = arith.addi %add3A_249, %scan3A_248 : i32
        %get3A_251 = arith.index_cast %add3A_250 : i32 to index
        %get3A_252 = arith.constant 0 : index
        %get3A_253 = tpu.vector_load %arg6[%get3A_251, %get3A_252] {strides = array<i32>} : memref<416x64xf32, #tpu.memory_space<vmem>>, vector<1x16xf32>,
        %get3A_254 = vector.shape_cast %get3A_253 : vector<1x16xf32> to vector<16xf32>
        %add3A_255 = arith.addf %add3A_231, %get3A_254 : vector<16xf32>
        %get3A_256 = arith.index_cast %add3A_250 : i32 to index
        %get3A_257 = arith.constant 16 : index
        %get3A_258 = tpu.vector_load %arg6[%get3A_256, %get3A_257] {strides = array<i32>} : memref<416x64xf32, #tpu.memory_space<vmem>>, vector<1x16xf32>,
        %get3A_259 = vector.shape_cast %get3A_258 : vector<1x16xf32> to vector<16xf32>
        %add3A_260 = arith.addf %add3A_236, %get3A_259 : vector<16xf32>
        %get3A_261 = arith.index_cast %add3A_250 : i32 to index
        %get3A_262 = arith.constant 32 : index
        %get3A_263 = tpu.vector_load %arg6[%get3A_261, %get3A_262] {strides = array<i32>} : memref<416x64xf32, #tpu.memory_space<vmem>>, vector<1x16xf32>,
        %get3A_264 = vector.shape_cast %get3A_263 : vector<1x16xf32> to vector<16xf32>
        %add3A_265 = arith.addf %add3A_241, %get3A_264 : vector<16xf32>
        %get3A_266 = arith.index_cast %add3A_250 : i32 to index
        %get3A_267 = arith.constant 48 : index
        %get3A_268 = tpu.vector_load %arg6[%get3A_266, %get3A_267] {strides = array<i32>} : memref<416x64xf32, #tpu.memory_space<vmem>>, vector<1x16xf32>,
        %get3A_269 = vector.shape_cast %get3A_268 : vector<1x16xf32> to vector<16xf32>
        %add3A_270 = arith.addf %add3A_246, %get3A_269 : vector<16xf32>
        %scan3A_271 = arith.constant 5 : i32
        %scan3A_272 = arith.addi %scan3A_149, %scan3A_271 : i32
        %add3A_273 = arith.constant 0 : i32
        %add3A_274 = arith.addi %add3A_273, %scan3A_272 : i32
        %get3A_275 = arith.index_cast %add3A_274 : i32 to index
        %get3A_276 = arith.constant 0 : index
        %get3A_277 = tpu.vector_load %arg6[%get3A_275, %get3A_276] {strides = array<i32>} : memref<416x64xf32, #tpu.memory_space<vmem>>, vector<1x16xf32>,
        %get3A_278 = vector.shape_cast %get3A_277 : vector<1x16xf32> to vector<16xf32>
        %add3A_279 = arith.addf %add3A_255, %get3A_278 : vector<16xf32>
        %get3A_280 = arith.index_cast %add3A_274 : i32 to index
        %get3A_281 = arith.constant 16 : index
        %get3A_282 = tpu.vector_load %arg6[%get3A_280, %get3A_281] {strides = array<i32>} : memref<416x64xf32, #tpu.memory_space<vmem>>, vector<1x16xf32>,
        %get3A_283 = vector.shape_cast %get3A_282 : vector<1x16xf32> to vector<16xf32>
        %add3A_284 = arith.addf %add3A_260, %get3A_283 : vector<16xf32>
        %get3A_285 = arith.index_cast %add3A_274 : i32 to index
        %get3A_286 = arith.constant 32 : index
        %get3A_287 = tpu.vector_load %arg6[%get3A_285, %get3A_286] {strides = array<i32>} : memref<416x64xf32, #tpu.memory_space<vmem>>, vector<1x16xf32>,
        %get3A_288 = vector.shape_cast %get3A_287 : vector<1x16xf32> to vector<16xf32>
        %add3A_289 = arith.addf %add3A_265, %get3A_288 : vector<16xf32>
        %get3A_290 = arith.index_cast %add3A_274 : i32 to index
        %get3A_291 = arith.constant 48 : index
        %get3A_292 = tpu.vector_load %arg6[%get3A_290, %get3A_291] {strides = array<i32>} : memref<416x64xf32, #tpu.memory_space<vmem>>, vector<1x16xf32>,
        %get3A_293 = vector.shape_cast %get3A_292 : vector<1x16xf32> to vector<16xf32>
        %add3A_294 = arith.addf %add3A_270, %get3A_293 : vector<16xf32>
        %scan3A_295 = arith.constant 6 : i32
        %scan3A_296 = arith.addi %scan3A_149, %scan3A_295 : i32
        %add3A_297 = arith.constant 0 : i32
        %add3A_298 = arith.addi %add3A_297, %scan3A_296 : i32
        %get3A_299 = arith.index_cast %add3A_298 : i32 to index
        %get3A_300 = arith.constant 0 : index
        %get3A_301 = tpu.vector_load %arg6[%get3A_299, %get3A_300] {strides = array<i32>} : memref<416x64xf32, #tpu.memory_space<vmem>>, vector<1x16xf32>,
        %get3A_302 = vector.shape_cast %get3A_301 : vector<1x16xf32> to vector<16xf32>
        %add3A_303 = arith.addf %add3A_279, %get3A_302 : vector<16xf32>
        %get3A_304 = arith.index_cast %add3A_298 : i32 to index
        %get3A_305 = arith.constant 16 : index
        %get3A_306 = tpu.vector_load %arg6[%get3A_304, %get3A_305] {strides = array<i32>} : memref<416x64xf32, #tpu.memory_space<vmem>>, vector<1x16xf32>,
        %get3A_307 = vector.shape_cast %get3A_306 : vector<1x16xf32> to vector<16xf32>
        %add3A_308 = arith.addf %add3A_284, %get3A_307 : vector<16xf32>
        %get3A_309 = arith.index_cast %add3A_298 : i32 to index
        %get3A_310 = arith.constant 32 : index
        %get3A_311 = tpu.vector_load %arg6[%get3A_309, %get3A_310] {strides = array<i32>} : memref<416x64xf32, #tpu.memory_space<vmem>>, vector<1x16xf32>,
        %get3A_312 = vector.shape_cast %get3A_311 : vector<1x16xf32> to vector<16xf32>
        %add3A_313 = arith.addf %add3A_289, %get3A_312 : vector<16xf32>
        %get3A_314 = arith.index_cast %add3A_298 : i32 to index
        %get3A_315 = arith.constant 48 : index
        %get3A_316 = tpu.vector_load %arg6[%get3A_314, %get3A_315] {strides = array<i32>} : memref<416x64xf32, #tpu.memory_space<vmem>>, vector<1x16xf32>,
        %get3A_317 = vector.shape_cast %get3A_316 : vector<1x16xf32> to vector<16xf32>
        %add3A_318 = arith.addf %add3A_294, %get3A_317 : vector<16xf32>
        %scan3A_319 = arith.constant 7 : i32
        %scan3A_320 = arith.addi %scan3A_149, %scan3A_319 : i32
        %add3A_321 = arith.constant 0 : i32
        %add3A_322 = arith.addi %add3A_321, %scan3A_320 : i32
        %get3A_323 = arith.index_cast %add3A_322 : i32 to index
        %get3A_324 = arith.constant 0 : index
        %get3A_325 = tpu.vector_load %arg6[%get3A_323, %get3A_324] {strides = array<i32>} : memref<416x64xf32, #tpu.memory_space<vmem>>, vector<1x16xf32>,
        %get3A_326 = vector.shape_cast %get3A_325 : vector<1x16xf32> to vector<16xf32>
        %add3A_327 = arith.addf %add3A_303, %get3A_326 : vector<16xf32>
        %get3A_328 = arith.index_cast %add3A_322 : i32 to index
        %get3A_329 = arith.constant 16 : index
        %get3A_330 = tpu.vector_load %arg6[%get3A_328, %get3A_329] {strides = array<i32>} : memref<416x64xf32, #tpu.memory_space<vmem>>, vector<1x16xf32>,
        %get3A_331 = vector.shape_cast %get3A_330 : vector<1x16xf32> to vector<16xf32>
        %add3A_332 = arith.addf %add3A_308, %get3A_331 : vector<16xf32>
        %get3A_333 = arith.index_cast %add3A_322 : i32 to index
        %get3A_334 = arith.constant 32 : index
        %get3A_335 = tpu.vector_load %arg6[%get3A_333, %get3A_334] {strides = array<i32>} : memref<416x64xf32, #tpu.memory_space<vmem>>, vector<1x16xf32>,
        %get3A_336 = vector.shape_cast %get3A_335 : vector<1x16xf32> to vector<16xf32>
        %add3A_337 = arith.addf %add3A_313, %get3A_336 : vector<16xf32>
        %get3A_338 = arith.index_cast %add3A_322 : i32 to index
        %get3A_339 = arith.constant 48 : index
        %get3A_340 = tpu.vector_load %arg6[%get3A_338, %get3A_339] {strides = array<i32>} : memref<416x64xf32, #tpu.memory_space<vmem>>, vector<1x16xf32>,
        %get3A_341 = vector.shape_cast %get3A_340 : vector<1x16xf32> to vector<16xf32>
        %add3A_342 = arith.addf %add3A_318, %get3A_341 : vector<16xf32>
        %scan3A_343 = arith.constant 8 : i32
        %scan3A_344 = arith.addi %scan3A_149, %scan3A_343 : i32
        %add3A_345 = arith.constant 0 : i32
        %add3A_346 = arith.addi %add3A_345, %scan3A_344 : i32
        %get3A_347 = arith.index_cast %add3A_346 : i32 to index
        %get3A_348 = arith.constant 0 : index
        %get3A_349 = tpu.vector_load %arg6[%get3A_347, %get3A_348] {strides = array<i32>} : memref<416x64xf32, #tpu.memory_space<vmem>>, vector<1x16xf32>,
        %get3A_350 = vector.shape_cast %get3A_349 : vector<1x16xf32> to vector<16xf32>
        %add3A_351 = arith.addf %add3A_327, %get3A_350 : vector<16xf32>
        %get3A_352 = arith.index_cast %add3A_346 : i32 to index
        %get3A_353 = arith.constant 16 : index
        %get3A_354 = tpu.vector_load %arg6[%get3A_352, %get3A_353] {strides = array<i32>} : memref<416x64xf32, #tpu.memory_space<vmem>>, vector<1x16xf32>,
        %get3A_355 = vector.shape_cast %get3A_354 : vector<1x16xf32> to vector<16xf32>
        %add3A_356 = arith.addf %add3A_332, %get3A_355 : vector<16xf32>
        %get3A_357 = arith.index_cast %add3A_346 : i32 to index
        %get3A_358 = arith.constant 32 : index
        %get3A_359 = tpu.vector_load %arg6[%get3A_357, %get3A_358] {strides = array<i32>} : memref<416x64xf32, #tpu.memory_space<vmem>>, vector<1x16xf32>,
        %get3A_360 = vector.shape_cast %get3A_359 : vector<1x16xf32> to vector<16xf32>
        %add3A_361 = arith.addf %add3A_337, %get3A_360 : vector<16xf32>
        %get3A_362 = arith.index_cast %add3A_346 : i32 to index
        %get3A_363 = arith.constant 48 : index
        %get3A_364 = tpu.vector_load %arg6[%get3A_362, %get3A_363] {strides = array<i32>} : memref<416x64xf32, #tpu.memory_space<vmem>>, vector<1x16xf32>,
        %get3A_365 = vector.shape_cast %get3A_364 : vector<1x16xf32> to vector<16xf32>
        %add3A_366 = arith.addf %add3A_342, %get3A_365 : vector<16xf32>
        %scan3A_367 = arith.constant 9 : i32
        %scan3A_368 = arith.addi %scan3A_149, %scan3A_367 : i32
        %add3A_369 = arith.constant 0 : i32
        %add3A_370 = arith.addi %add3A_369, %scan3A_368 : i32
        %get3A_371 = arith.index_cast %add3A_370 : i32 to index
        %get3A_372 = arith.constant 0 : index
        %get3A_373 = tpu.vector_load %arg6[%get3A_371, %get3A_372] {strides = array<i32>} : memref<416x64xf32, #tpu.memory_space<vmem>>, vector<1x16xf32>,
        %get3A_374 = vector.shape_cast %get3A_373 : vector<1x16xf32> to vector<16xf32>
        %add3A_375 = arith.addf %add3A_351, %get3A_374 : vector<16xf32>
        %get3A_376 = arith.index_cast %add3A_370 : i32 to index
        %get3A_377 = arith.constant 16 : index
        %get3A_378 = tpu.vector_load %arg6[%get3A_376, %get3A_377] {strides = array<i32>} : memref<416x64xf32, #tpu.memory_space<vmem>>, vector<1x16xf32>,
        %get3A_379 = vector.shape_cast %get3A_378 : vector<1x16xf32> to vector<16xf32>
        %add3A_380 = arith.addf %add3A_356, %get3A_379 : vector<16xf32>
        %get3A_381 = arith.index_cast %add3A_370 : i32 to index
        %get3A_382 = arith.constant 32 : index
        %get3A_383 = tpu.vector_load %arg6[%get3A_381, %get3A_382] {strides = array<i32>} : memref<416x64xf32, #tpu.memory_space<vmem>>, vector<1x16xf32>,
        %get3A_384 = vector.shape_cast %get3A_383 : vector<1x16xf32> to vector<16xf32>
        %add3A_385 = arith.addf %add3A_361, %get3A_384 : vector<16xf32>
        %get3A_386 = arith.index_cast %add3A_370 : i32 to index
        %get3A_387 = arith.constant 48 : index
        %get3A_388 = tpu.vector_load %arg6[%get3A_386, %get3A_387] {strides = array<i32>} : memref<416x64xf32, #tpu.memory_space<vmem>>, vector<1x16xf32>,
        %get3A_389 = vector.shape_cast %get3A_388 : vector<1x16xf32> to vector<16xf32>
        %add3A_390 = arith.addf %add3A_366, %get3A_389 : vector<16xf32>
        scf.yield %add3A_375, %add3A_380, %add3A_385, %add3A_390 : vector<16xf32>, vector<16xf32>, vector<16xf32>, vector<16xf32>
      }
      %scan3A_71 = arith.constant 100 : i32
      %scan3A_72 = arith.constant 0 : i32
      %scan3A_73 = arith.constant 100 : i32
      %scan3A_74 = arith.addi %scan3A_72, %scan3A_73 : i32
      %scan3A_75 = arith.constant 10 : i32
      %scan3A_76:4 = scf.for %scan3A_149 = %scan3A_72 to %scan3A_74 step %scan3A_75 iter_args(%scan3A_150 = %scan3A_70#0, %scan3A_151 = %scan3A_70#1, %scan3A_152 = %scan3A_70#2, %scan3A_153 = %scan3A_70#3) -> (vector<16xf32>, vector<16xf32>, vector<16xf32>, vector<16xf32>)  : i32 {
        %add3A_154 = arith.constant 104 : i32
        %add3A_155 = arith.addi %add3A_154, %scan3A_149 : i32
        %get3A = arith.index_cast %add3A_155 : i32 to index
        %get3A_156 = arith.constant 0 : index
        %get3A_157 = tpu.vector_load %arg6[%get3A, %get3A_156] {strides = array<i32>} : memref<416x64xf32, #tpu.memory_space<vmem>>, vector<1x16xf32>,
        %get3A_158 = vector.shape_cast %get3A_157 : vector<1x16xf32> to vector<16xf32>
        %add3A_159 = arith.addf %scan3A_150, %get3A_158 : vector<16xf32>
        %get3A_160 = arith.index_cast %add3A_155 : i32 to index
        %get3A_161 = arith.constant 16 : index
        %get3A_162 = tpu.vector_load %arg6[%get3A_160, %get3A_161] {strides = array<i32>} : memref<416x64xf32, #tpu.memory_space<vmem>>, vector<1x16xf32>,
        %get3A_163 = vector.shape_cast %get3A_162 : vector<1x16xf32> to vector<16xf32>
        %add3A_164 = arith.addf %scan3A_151, %get3A_163 : vector<16xf32>
        %get3A_165 = arith.index_cast %add3A_155 : i32 to index
        %get3A_166 = arith.constant 32 : index
        %get3A_167 = tpu.vector_load %arg6[%get3A_165, %get3A_166] {strides = array<i32>} : memref<416x64xf32, #tpu.memory_space<vmem>>, vector<1x16xf32>,
        %get3A_168 = vector.shape_cast %get3A_167 : vector<1x16xf32> to vector<16xf32>
        %add3A_169 = arith.addf %scan3A_152, %get3A_168 : vector<16xf32>
        %get3A_170 = arith.index_cast %add3A_155 : i32 to index
        %get3A_171 = arith.constant 48 : index
        %get3A_172 = tpu.vector_load %arg6[%get3A_170, %get3A_171] {strides = array<i32>} : memref<416x64xf32, #tpu.memory_space<vmem>>, vector<1x16xf32>,
        %get3A_173 = vector.shape_cast %get3A_172 : vector<1x16xf32> to vector<16xf32>
        %add3A_174 = arith.addf %scan3A_153, %get3A_173 : vector<16xf32>
        %scan3A_175 = arith.constant 1 : i32
        %scan3A_176 = arith.addi %scan3A_149, %scan3A_175 : i32
        %add3A_177 = arith.constant 104 : i32
        %add3A_178 = arith.addi %add3A_177, %scan3A_176 : i32
        %get3A_179 = arith.index_cast %add3A_178 : i32 to index
        %get3A_180 = arith.constant 0 : index
        %get3A_181 = tpu.vector_load %arg6[%get3A_179, %get3A_180] {strides = array<i32>} : memref<416x64xf32, #tpu.memory_space<vmem>>, vector<1x16xf32>,
        %get3A_182 = vector.shape_cast %get3A_181 : vector<1x16xf32> to vector<16xf32>
        %add3A_183 = arith.addf %add3A_159, %get3A_182 : vector<16xf32>
        %get3A_184 = arith.index_cast %add3A_178 : i32 to index
        %get3A_185 = arith.constant 16 : index
        %get3A_186 = tpu.vector_load %arg6[%get3A_184, %get3A_185] {strides = array<i32>} : memref<416x64xf32, #tpu.memory_space<vmem>>, vector<1x16xf32>,
        %get3A_187 = vector.shape_cast %get3A_186 : vector<1x16xf32> to vector<16xf32>
        %add3A_188 = arith.addf %add3A_164, %get3A_187 : vector<16xf32>
        %get3A_189 = arith.index_cast %add3A_178 : i32 to index
        %get3A_190 = arith.constant 32 : index
        %get3A_191 = tpu.vector_load %arg6[%get3A_189, %get3A_190] {strides = array<i32>} : memref<416x64xf32, #tpu.memory_space<vmem>>, vector<1x16xf32>,
        %get3A_192 = vector.shape_cast %get3A_191 : vector<1x16xf32> to vector<16xf32>
        %add3A_193 = arith.addf %add3A_169, %get3A_192 : vector<16xf32>
        %get3A_194 = arith.index_cast %add3A_178 : i32 to index
        %get3A_195 = arith.constant 48 : index
        %get3A_196 = tpu.vector_load %arg6[%get3A_194, %get3A_195] {strides = array<i32>} : memref<416x64xf32, #tpu.memory_space<vmem>>, vector<1x16xf32>,
        %get3A_197 = vector.shape_cast %get3A_196 : vector<1x16xf32> to vector<16xf32>
        %add3A_198 = arith.addf %add3A_174, %get3A_197 : vector<16xf32>
        %scan3A_199 = arith.constant 2 : i32
        %scan3A_200 = arith.addi %scan3A_149, %scan3A_199 : i32
        %add3A_201 = arith.constant 104 : i32
        %add3A_202 = arith.addi %add3A_201, %scan3A_200 : i32
        %get3A_203 = arith.index_cast %add3A_202 : i32 to index
        %get3A_204 = arith.constant 0 : index
        %get3A_205 = tpu.vector_load %arg6[%get3A_203, %get3A_204] {strides = array<i32>} : memref<416x64xf32, #tpu.memory_space<vmem>>, vector<1x16xf32>,
        %get3A_206 = vector.shape_cast %get3A_205 : vector<1x16xf32> to vector<16xf32>
        %add3A_207 = arith.addf %add3A_183, %get3A_206 : vector<16xf32>
        %get3A_208 = arith.index_cast %add3A_202 : i32 to index
        %get3A_209 = arith.constant 16 : index
        %get3A_210 = tpu.vector_load %arg6[%get3A_208, %get3A_209] {strides = array<i32>} : memref<416x64xf32, #tpu.memory_space<vmem>>, vector<1x16xf32>,
        %get3A_211 = vector.shape_cast %get3A_210 : vector<1x16xf32> to vector<16xf32>
        %add3A_212 = arith.addf %add3A_188, %get3A_211 : vector<16xf32>
        %get3A_213 = arith.index_cast %add3A_202 : i32 to index
        %get3A_214 = arith.constant 32 : index
        %get3A_215 = tpu.vector_load %arg6[%get3A_213, %get3A_214] {strides = array<i32>} : memref<416x64xf32, #tpu.memory_space<vmem>>, vector<1x16xf32>,
        %get3A_216 = vector.shape_cast %get3A_215 : vector<1x16xf32> to vector<16xf32>
        %add3A_217 = arith.addf %add3A_193, %get3A_216 : vector<16xf32>
        %get3A_218 = arith.index_cast %add3A_202 : i32 to index
        %get3A_219 = arith.constant 48 : index
        %get3A_220 = tpu.vector_load %arg6[%get3A_218, %get3A_219] {strides = array<i32>} : memref<416x64xf32, #tpu.memory_space<vmem>>, vector<1x16xf32>,
        %get3A_221 = vector.shape_cast %get3A_220 : vector<1x16xf32> to vector<16xf32>
        %add3A_222 = arith.addf %add3A_198, %get3A_221 : vector<16xf32>
        %scan3A_223 = arith.constant 3 : i32
        %scan3A_224 = arith.addi %scan3A_149, %scan3A_223 : i32
        %add3A_225 = arith.constant 104 : i32
        %add3A_226 = arith.addi %add3A_225, %scan3A_224 : i32
        %get3A_227 = arith.index_cast %add3A_226 : i32 to index
        %get3A_228 = arith.constant 0 : index
        %get3A_229 = tpu.vector_load %arg6[%get3A_227, %get3A_228] {strides = array<i32>} : memref<416x64xf32, #tpu.memory_space<vmem>>, vector<1x16xf32>,
        %get3A_230 = vector.shape_cast %get3A_229 : vector<1x16xf32> to vector<16xf32>
        %add3A_231 = arith.addf %add3A_207, %get3A_230 : vector<16xf32>
        %get3A_232 = arith.index_cast %add3A_226 : i32 to index
        %get3A_233 = arith.constant 16 : index
        %get3A_234 = tpu.vector_load %arg6[%get3A_232, %get3A_233] {strides = array<i32>} : memref<416x64xf32, #tpu.memory_space<vmem>>, vector<1x16xf32>,
        %get3A_235 = vector.shape_cast %get3A_234 : vector<1x16xf32> to vector<16xf32>
        %add3A_236 = arith.addf %add3A_212, %get3A_235 : vector<16xf32>
        %get3A_237 = arith.index_cast %add3A_226 : i32 to index
        %get3A_238 = arith.constant 32 : index
        %get3A_239 = tpu.vector_load %arg6[%get3A_237, %get3A_238] {strides = array<i32>} : memref<416x64xf32, #tpu.memory_space<vmem>>, vector<1x16xf32>,
        %get3A_240 = vector.shape_cast %get3A_239 : vector<1x16xf32> to vector<16xf32>
        %add3A_241 = arith.addf %add3A_217, %get3A_240 : vector<16xf32>
        %get3A_242 = arith.index_cast %add3A_226 : i32 to index
        %get3A_243 = arith.constant 48 : index
        %get3A_244 = tpu.vector_load %arg6[%get3A_242, %get3A_243] {strides = array<i32>} : memref<416x64xf32, #tpu.memory_space<vmem>>, vector<1x16xf32>,
        %get3A_245 = vector.shape_cast %get3A_244 : vector<1x16xf32> to vector<16xf32>
        %add3A_246 = arith.addf %add3A_222, %get3A_245 : vector<16xf32>
        %scan3A_247 = arith.constant 4 : i32
        %scan3A_248 = arith.addi %scan3A_149, %scan3A_247 : i32
        %add3A_249 = arith.constant 104 : i32
        %add3A_250 = arith.addi %add3A_249, %scan3A_248 : i32
        %get3A_251 = arith.index_cast %add3A_250 : i32 to index
        %get3A_252 = arith.constant 0 : index
        %get3A_253 = tpu.vector_load %arg6[%get3A_251, %get3A_252] {strides = array<i32>} : memref<416x64xf32, #tpu.memory_space<vmem>>, vector<1x16xf32>,
        %get3A_254 = vector.shape_cast %get3A_253 : vector<1x16xf32> to vector<16xf32>
        %add3A_255 = arith.addf %add3A_231, %get3A_254 : vector<16xf32>
        %get3A_256 = arith.index_cast %add3A_250 : i32 to index
        %get3A_257 = arith.constant 16 : index
        %get3A_258 = tpu.vector_load %arg6[%get3A_256, %get3A_257] {strides = array<i32>} : memref<416x64xf32, #tpu.memory_space<vmem>>, vector<1x16xf32>,
        %get3A_259 = vector.shape_cast %get3A_258 : vector<1x16xf32> to vector<16xf32>
        %add3A_260 = arith.addf %add3A_236, %get3A_259 : vector<16xf32>
        %get3A_261 = arith.index_cast %add3A_250 : i32 to index
        %get3A_262 = arith.constant 32 : index
        %get3A_263 = tpu.vector_load %arg6[%get3A_261, %get3A_262] {strides = array<i32>} : memref<416x64xf32, #tpu.memory_space<vmem>>, vector<1x16xf32>,
        %get3A_264 = vector.shape_cast %get3A_263 : vector<1x16xf32> to vector<16xf32>
        %add3A_265 = arith.addf %add3A_241, %get3A_264 : vector<16xf32>
        %get3A_266 = arith.index_cast %add3A_250 : i32 to index
        %get3A_267 = arith.constant 48 : index
        %get3A_268 = tpu.vector_load %arg6[%get3A_266, %get3A_267] {strides = array<i32>} : memref<416x64xf32, #tpu.memory_space<vmem>>, vector<1x16xf32>,
        %get3A_269 = vector.shape_cast %get3A_268 : vector<1x16xf32> to vector<16xf32>
        %add3A_270 = arith.addf %add3A_246, %get3A_269 : vector<16xf32>
        %scan3A_271 = arith.constant 5 : i32
        %scan3A_272 = arith.addi %scan3A_149, %scan3A_271 : i32
        %add3A_273 = arith.constant 104 : i32
        %add3A_274 = arith.addi %add3A_273, %scan3A_272 : i32
        %get3A_275 = arith.index_cast %add3A_274 : i32 to index
        %get3A_276 = arith.constant 0 : index
        %get3A_277 = tpu.vector_load %arg6[%get3A_275, %get3A_276] {strides = array<i32>} : memref<416x64xf32, #tpu.memory_space<vmem>>, vector<1x16xf32>,
        %get3A_278 = vector.shape_cast %get3A_277 : vector<1x16xf32> to vector<16xf32>
        %add3A_279 = arith.addf %add3A_255, %get3A_278 : vector<16xf32>
        %get3A_280 = arith.index_cast %add3A_274 : i32 to index
        %get3A_281 = arith.constant 16 : index
        %get3A_282 = tpu.vector_load %arg6[%get3A_280, %get3A_281] {strides = array<i32>} : memref<416x64xf32, #tpu.memory_space<vmem>>, vector<1x16xf32>,
        %get3A_283 = vector.shape_cast %get3A_282 : vector<1x16xf32> to vector<16xf32>
        %add3A_284 = arith.addf %add3A_260, %get3A_283 : vector<16xf32>
        %get3A_285 = arith.index_cast %add3A_274 : i32 to index
        %get3A_286 = arith.constant 32 : index
        %get3A_287 = tpu.vector_load %arg6[%get3A_285, %get3A_286] {strides = array<i32>} : memref<416x64xf32, #tpu.memory_space<vmem>>, vector<1x16xf32>,
        %get3A_288 = vector.shape_cast %get3A_287 : vector<1x16xf32> to vector<16xf32>
        %add3A_289 = arith.addf %add3A_265, %get3A_288 : vector<16xf32>
        %get3A_290 = arith.index_cast %add3A_274 : i32 to index
        %get3A_291 = arith.constant 48 : index
        %get3A_292 = tpu.vector_load %arg6[%get3A_290, %get3A_291] {strides = array<i32>} : memref<416x64xf32, #tpu.memory_space<vmem>>, vector<1x16xf32>,
        %get3A_293 = vector.shape_cast %get3A_292 : vector<1x16xf32> to vector<16xf32>
        %add3A_294 = arith.addf %add3A_270, %get3A_293 : vector<16xf32>
        %scan3A_295 = arith.constant 6 : i32
        %scan3A_296 = arith.addi %scan3A_149, %scan3A_295 : i32
        %add3A_297 = arith.constant 104 : i32
        %add3A_298 = arith.addi %add3A_297, %scan3A_296 : i32
        %get3A_299 = arith.index_cast %add3A_298 : i32 to index
        %get3A_300 = arith.constant 0 : index
        %get3A_301 = tpu.vector_load %arg6[%get3A_299, %get3A_300] {strides = array<i32>} : memref<416x64xf32, #tpu.memory_space<vmem>>, vector<1x16xf32>,
        %get3A_302 = vector.shape_cast %get3A_301 : vector<1x16xf32> to vector<16xf32>
        %add3A_303 = arith.addf %add3A_279, %get3A_302 : vector<16xf32>
        %get3A_304 = arith.index_cast %add3A_298 : i32 to index
        %get3A_305 = arith.constant 16 : index
        %get3A_306 = tpu.vector_load %arg6[%get3A_304, %get3A_305] {strides = array<i32>} : memref<416x64xf32, #tpu.memory_space<vmem>>, vector<1x16xf32>,
        %get3A_307 = vector.shape_cast %get3A_306 : vector<1x16xf32> to vector<16xf32>
        %add3A_308 = arith.addf %add3A_284, %get3A_307 : vector<16xf32>
        %get3A_309 = arith.index_cast %add3A_298 : i32 to index
        %get3A_310 = arith.constant 32 : index
        %get3A_311 = tpu.vector_load %arg6[%get3A_309, %get3A_310] {strides = array<i32>} : memref<416x64xf32, #tpu.memory_space<vmem>>, vector<1x16xf32>,
        %get3A_312 = vector.shape_cast %get3A_311 : vector<1x16xf32> to vector<16xf32>
        %add3A_313 = arith.addf %add3A_289, %get3A_312 : vector<16xf32>
        %get3A_314 = arith.index_cast %add3A_298 : i32 to index
        %get3A_315 = arith.constant 48 : index
        %get3A_316 = tpu.vector_load %arg6[%get3A_314, %get3A_315] {strides = array<i32>} : memref<416x64xf32, #tpu.memory_space<vmem>>, vector<1x16xf32>,
        %get3A_317 = vector.shape_cast %get3A_316 : vector<1x16xf32> to vector<16xf32>
        %add3A_318 = arith.addf %add3A_294, %get3A_317 : vector<16xf32>
        %scan3A_319 = arith.constant 7 : i32
        %scan3A_320 = arith.addi %scan3A_149, %scan3A_319 : i32
        %add3A_321 = arith.constant 104 : i32
        %add3A_322 = arith.addi %add3A_321, %scan3A_320 : i32
        %get3A_323 = arith.index_cast %add3A_322 : i32 to index
        %get3A_324 = arith.constant 0 : index
        %get3A_325 = tpu.vector_load %arg6[%get3A_323, %get3A_324] {strides = array<i32>} : memref<416x64xf32, #tpu.memory_space<vmem>>, vector<1x16xf32>,
        %get3A_326 = vector.shape_cast %get3A_325 : vector<1x16xf32> to vector<16xf32>
        %add3A_327 = arith.addf %add3A_303, %get3A_326 : vector<16xf32>
        %get3A_328 = arith.index_cast %add3A_322 : i32 to index
        %get3A_329 = arith.constant 16 : index
        %get3A_330 = tpu.vector_load %arg6[%get3A_328, %get3A_329] {strides = array<i32>} : memref<416x64xf32, #tpu.memory_space<vmem>>, vector<1x16xf32>,
        %get3A_331 = vector.shape_cast %get3A_330 : vector<1x16xf32> to vector<16xf32>
        %add3A_332 = arith.addf %add3A_308, %get3A_331 : vector<16xf32>
        %get3A_333 = arith.index_cast %add3A_322 : i32 to index
        %get3A_334 = arith.constant 32 : index
        %get3A_335 = tpu.vector_load %arg6[%get3A_333, %get3A_334] {strides = array<i32>} : memref<416x64xf32, #tpu.memory_space<vmem>>, vector<1x16xf32>,
        %get3A_336 = vector.shape_cast %get3A_335 : vector<1x16xf32> to vector<16xf32>
        %add3A_337 = arith.addf %add3A_313, %get3A_336 : vector<16xf32>
        %get3A_338 = arith.index_cast %add3A_322 : i32 to index
        %get3A_339 = arith.constant 48 : index
        %get3A_340 = tpu.vector_load %arg6[%get3A_338, %get3A_339] {strides = array<i32>} : memref<416x64xf32, #tpu.memory_space<vmem>>, vector<1x16xf32>,
        %get3A_341 = vector.shape_cast %get3A_340 : vector<1x16xf32> to vector<16xf32>
        %add3A_342 = arith.addf %add3A_318, %get3A_341 : vector<16xf32>
        %scan3A_343 = arith.constant 8 : i32
        %scan3A_344 = arith.addi %scan3A_149, %scan3A_343 : i32
        %add3A_345 = arith.constant 104 : i32
        %add3A_346 = arith.addi %add3A_345, %scan3A_344 : i32
        %get3A_347 = arith.index_cast %add3A_346 : i32 to index
        %get3A_348 = arith.constant 0 : index
        %get3A_349 = tpu.vector_load %arg6[%get3A_347, %get3A_348] {strides = array<i32>} : memref<416x64xf32, #tpu.memory_space<vmem>>, vector<1x16xf32>,
        %get3A_350 = vector.shape_cast %get3A_349 : vector<1x16xf32> to vector<16xf32>
        %add3A_351 = arith.addf %add3A_327, %get3A_350 : vector<16xf32>
        %get3A_352 = arith.index_cast %add3A_346 : i32 to index
        %get3A_353 = arith.constant 16 : index
        %get3A_354 = tpu.vector_load %arg6[%get3A_352, %get3A_353] {strides = array<i32>} : memref<416x64xf32, #tpu.memory_space<vmem>>, vector<1x16xf32>,
        %get3A_355 = vector.shape_cast %get3A_354 : vector<1x16xf32> to vector<16xf32>
        %add3A_356 = arith.addf %add3A_332, %get3A_355 : vector<16xf32>
        %get3A_357 = arith.index_cast %add3A_346 : i32 to index
        %get3A_358 = arith.constant 32 : index
        %get3A_359 = tpu.vector_load %arg6[%get3A_357, %get3A_358] {strides = array<i32>} : memref<416x64xf32, #tpu.memory_space<vmem>>, vector<1x16xf32>,
        %get3A_360 = vector.shape_cast %get3A_359 : vector<1x16xf32> to vector<16xf32>
        %add3A_361 = arith.addf %add3A_337, %get3A_360 : vector<16xf32>
        %get3A_362 = arith.index_cast %add3A_346 : i32 to index
        %get3A_363 = arith.constant 48 : index
        %get3A_364 = tpu.vector_load %arg6[%get3A_362, %get3A_363] {strides = array<i32>} : memref<416x64xf32, #tpu.memory_space<vmem>>, vector<1x16xf32>,
        %get3A_365 = vector.shape_cast %get3A_364 : vector<1x16xf32> to vector<16xf32>
        %add3A_366 = arith.addf %add3A_342, %get3A_365 : vector<16xf32>
        %scan3A_367 = arith.constant 9 : i32
        %scan3A_368 = arith.addi %scan3A_149, %scan3A_367 : i32
        %add3A_369 = arith.constant 104 : i32
        %add3A_370 = arith.addi %add3A_369, %scan3A_368 : i32
        %get3A_371 = arith.index_cast %add3A_370 : i32 to index
        %get3A_372 = arith.constant 0 : index
        %get3A_373 = tpu.vector_load %arg6[%get3A_371, %get3A_372] {strides = array<i32>} : memref<416x64xf32, #tpu.memory_space<vmem>>, vector<1x16xf32>,
        %get3A_374 = vector.shape_cast %get3A_373 : vector<1x16xf32> to vector<16xf32>
        %add3A_375 = arith.addf %add3A_351, %get3A_374 : vector<16xf32>
        %get3A_376 = arith.index_cast %add3A_370 : i32 to index
        %get3A_377 = arith.constant 16 : index
        %get3A_378 = tpu.vector_load %arg6[%get3A_376, %get3A_377] {strides = array<i32>} : memref<416x64xf32, #tpu.memory_space<vmem>>, vector<1x16xf32>,
        %get3A_379 = vector.shape_cast %get3A_378 : vector<1x16xf32> to vector<16xf32>
        %add3A_380 = arith.addf %add3A_356, %get3A_379 : vector<16xf32>
        %get3A_381 = arith.index_cast %add3A_370 : i32 to index
        %get3A_382 = arith.constant 32 : index
        %get3A_383 = tpu.vector_load %arg6[%get3A_381, %get3A_382] {strides = array<i32>} : memref<416x64xf32, #tpu.memory_space<vmem>>, vector<1x16xf32>,
        %get3A_384 = vector.shape_cast %get3A_383 : vector<1x16xf32> to vector<16xf32>
        %add3A_385 = arith.addf %add3A_361, %get3A_384 : vector<16xf32>
        %get3A_386 = arith.index_cast %add3A_370 : i32 to index
        %get3A_387 = arith.constant 48 : index
        %get3A_388 = tpu.vector_load %arg6[%get3A_386, %get3A_387] {strides = array<i32>} : memref<416x64xf32, #tpu.memory_space<vmem>>, vector<1x16xf32>,
        %get3A_389 = vector.shape_cast %get3A_388 : vector<1x16xf32> to vector<16xf32>
        %add3A_390 = arith.addf %add3A_366, %get3A_389 : vector<16xf32>
        scf.yield %add3A_375, %add3A_380, %add3A_385, %add3A_390 : vector<16xf32>, vector<16xf32>, vector<16xf32>, vector<16xf32>
      }
      %scan3A_77 = arith.constant 100 : i32
      %swap3A = arith.index_cast %mul3A_29 : i32 to index
      %swap3A_78 = arith.constant 0 : index
      %swap3A_79 = tpu.vector_load %arg7[%swap3A, %swap3A_78] {strides = array<i32>} : memref<128x64xf32, #tpu.memory_space<vmem>>, vector<1x16xf32>,
      %swap3A_80 = vector.shape_cast %swap3A_79 : vector<1x16xf32> to vector<16xf32>
      %swap3A_81 = vector.shape_cast %scan3A_76#0 : vector<16xf32> to vector<1x16xf32>
      tpu.vector_store %arg7[%swap3A, %swap3A_78], %swap3A_81 {strides = array<i32>} : memref<128x64xf32, #tpu.memory_space<vmem>>, vector<1x16xf32>,
      %swap3A_82 = arith.index_cast %mul3A_29 : i32 to index
      %swap3A_83 = arith.constant 16 : index
      %swap3A_84 = tpu.vector_load %arg7[%swap3A_82, %swap3A_83] {strides = array<i32>} : memref<128x64xf32, #tpu.memory_space<vmem>>, vector<1x16xf32>,
      %swap3A_85 = vector.shape_cast %swap3A_84 : vector<1x16xf32> to vector<16xf32>
      %swap3A_86 = vector.shape_cast %scan3A_76#1 : vector<16xf32> to vector<1x16xf32>
      tpu.vector_store %arg7[%swap3A_82, %swap3A_83], %swap3A_86 {strides = array<i32>} : memref<128x64xf32, #tpu.memory_space<vmem>>, vector<1x16xf32>,
      %swap3A_87 = arith.index_cast %mul3A_29 : i32 to index
      %swap3A_88 = arith.constant 32 : index
      %swap3A_89 = tpu.vector_load %arg7[%swap3A_87, %swap3A_88] {strides = array<i32>} : memref<128x64xf32, #tpu.memory_space<vmem>>, vector<1x16xf32>,
      %swap3A_90 = vector.shape_cast %swap3A_89 : vector<1x16xf32> to vector<16xf32>
      %swap3A_91 = vector.shape_cast %scan3A_76#2 : vector<16xf32> to vector<1x16xf32>
      tpu.vector_store %arg7[%swap3A_87, %swap3A_88], %swap3A_91 {strides = array<i32>} : memref<128x64xf32, #tpu.memory_space<vmem>>, vector<1x16xf32>,
      %swap3A_92 = arith.index_cast %mul3A_29 : i32 to index
      %swap3A_93 = arith.constant 48 : index
      %swap3A_94 = tpu.vector_load %arg7[%swap3A_92, %swap3A_93] {strides = array<i32>} : memref<128x64xf32, #tpu.memory_space<vmem>>, vector<1x16xf32>,
      %swap3A_95 = vector.shape_cast %swap3A_94 : vector<1x16xf32> to vector<16xf32>
      %swap3A_96 = vector.shape_cast %scan3A_76#3 : vector<16xf32> to vector<1x16xf32>
      tpu.vector_store %arg7[%swap3A_92, %swap3A_93], %swap3A_96 {strides = array<i32>} : memref<128x64xf32, #tpu.memory_space<vmem>>, vector<1x16xf32>,
      %add3A_97 = arith.constant 2 : i32
      %add3A_98 = arith.addi %mul3A_29, %add3A_97 : i32
      %lt3A = arith.constant 128 : i32
      %lt3A_99 = arith.cmpi slt, %add3A_98, %lt3A : i32
      %convert_element_type3A = arith.extui %lt3A_99 : i1 to i32
      %cond3A = arith.constant 0 : i32
      %cond3A_100 = arith.cmpi ne, %convert_element_type3A, %cond3A : i32
      scf.if %cond3A_100 {
        %add3A_149 = arith.constant 2 : i32
        %add3A_150 = arith.addi %mul3A_29, %add3A_149 : i32
        %mul3A_151 = arith.constant 2 : i32
        %mul3A_152 = arith.muli %add3A_150, %mul3A_151 : i32
        %dma_start3A_153 = arith.constant 0 : i32
        %dma_start3A_154 = arith.constant 0 : i32
        %dma_start3A_155 = tpu.memref_slice %arg6[%dma_start3A_153, %dma_start3A_154] : memref<416x64xf32, #tpu.memory_space<vmem>> -> memref<100x64xf32, #tpu.memory_space<vmem>>
        %dma_start3A_156 = arith.constant 0 : i32
        %dma_start3A_157 = tpu.memref_slice %arg5[%mul3A_152, %dma_start3A_156] : memref<256x100xi32, #tpu.memory_space<vmem>> -> memref<1x100xi32, #tpu.memory_space<vmem>>
        %dma_start3A_158 = tpu.memref_squeeze %dma_start3A_157 : memref<1x100xi32, #tpu.memory_space<vmem>> -> memref<100xi32, #tpu.memory_space<vmem>>
        %dma_start3A_159 = arith.constant 0 : i32
        %dma_start3A_160 = arith.constant 0 : i32
        %dma_start3A_161 = tpu.memref_slice %arg3[%dma_start3A_159, %dma_start3A_160] : memref<1003520x64xf32, #tpu.memory_space<hbm>> -> memref<1003520x64xf32, #tpu.memory_space<hbm>>
        tpu.enqueue_indirect_dma source(%dma_start3A_161 : memref<1003520x64xf32, #tpu.memory_space<hbm>>) target(%dma_start3A_155 : memref<100x64xf32, #tpu.memory_space<vmem>>) offsets(%dma_start3A_158 : memref<100xi32, #tpu.memory_space<vmem>>) semaphore(%arg8 : memref<!tpu.dma_semaphore, #tpu.memory_space<semaphore_mem>>)
        %add3A_162 = arith.constant 1 : i32
        %add3A_163 = arith.addi %mul3A_152, %add3A_162 : i32
        %dma_start3A_164 = arith.constant 104 : i32
        %dma_start3A_165 = arith.constant 0 : i32
        %dma_start3A_166 = tpu.memref_slice %arg6[%dma_start3A_164, %dma_start3A_165] : memref<416x64xf32, #tpu.memory_space<vmem>> -> memref<100x64xf32, #tpu.memory_space<vmem>>
        %dma_start3A_167 = arith.constant 0 : i32
        %dma_start3A_168 = tpu.memref_slice %arg5[%add3A_163, %dma_start3A_167] : memref<256x100xi32, #tpu.memory_space<vmem>> -> memref<1x100xi32, #tpu.memory_space<vmem>>
        %dma_start3A_169 = tpu.memref_squeeze %dma_start3A_168 : memref<1x100xi32, #tpu.memory_space<vmem>> -> memref<100xi32, #tpu.memory_space<vmem>>
        %dma_start3A_170 = arith.constant 0 : i32
        %dma_start3A_171 = arith.constant 0 : i32
        %dma_start3A_172 = tpu.memref_slice %arg3[%dma_start3A_170, %dma_start3A_171] : memref<1003520x64xf32, #tpu.memory_space<hbm>> -> memref<1003520x64xf32, #tpu.memory_space<hbm>>
        tpu.enqueue_indirect_dma source(%dma_start3A_172 : memref<1003520x64xf32, #tpu.memory_space<hbm>>) target(%dma_start3A_166 : memref<100x64xf32, #tpu.memory_space<vmem>>) offsets(%dma_start3A_169 : memref<100xi32, #tpu.memory_space<vmem>>) semaphore(%arg8 : memref<!tpu.dma_semaphore, #tpu.memory_space<semaphore_mem>>)
      } else {
      }
      %dma_wait3A_101 = arith.constant 208 : i32
      %dma_wait3A_102 = arith.constant 0 : i32
      %dma_wait3A_103 = tpu.memref_slice %arg6[%dma_wait3A_101, %dma_wait3A_102] : memref<416x64xf32, #tpu.memory_space<vmem>> -> memref<200x64xf32, #tpu.memory_space<vmem>>
      %dma_wait3A_104 = arith.constant 0 : i32
      %dma_wait3A_105 = arith.constant 0 : i32
      %dma_wait3A_106 = tpu.memref_slice %arg3[%dma_wait3A_104, %dma_wait3A_105] : memref<1003520x64xf32, #tpu.memory_space<hbm>> -> memref<200x64xf32, #tpu.memory_space<hbm>>
      %dma_wait3A_107 = arith.constant 208 : i32
      %dma_wait3A_108 = arith.constant 0 : i32
      %dma_wait3A_109 = tpu.memref_slice %arg6[%dma_wait3A_107, %dma_wait3A_108] : memref<416x64xf32, #tpu.memory_space<vmem>> -> memref<200x64xf32, #tpu.memory_space<vmem>>
      %dma_wait3A_110 = arith.constant 0 : i32
      %dma_wait3A_111 = arith.constant 0 : i32
      %dma_wait3A_112 = tpu.memref_slice %arg3[%dma_wait3A_110, %dma_wait3A_111] : memref<1003520x64xf32, #tpu.memory_space<hbm>> -> memref<200x64xf32, #tpu.memory_space<hbm>>
      tpu.wait_dma2 semaphore(%arg9 : memref<!tpu.dma_semaphore, #tpu.memory_space<semaphore_mem>>) src(%dma_wait3A_112 : memref<200x64xf32, #tpu.memory_space<hbm>>) dst(%dma_wait3A_109 : memref<200x64xf32, #tpu.memory_space<vmem>>)
      %add3A_113 = arith.constant 1 : i32
      %add3A_114 = arith.addi %mul3A_29, %add3A_113 : i32
      %broadcast_in_dim3A_115 = arith.constant 0.000000e+00 : f32
      %broadcast_in_dim3A_116 = vector.broadcast %broadcast_in_dim3A_115 : f32 to vector<16xf32>
      %scan3A_117 = arith.constant 0 : i32
      %scan3A_118 = arith.constant 100 : i32
      %scan3A_119 = arith.addi %scan3A_117, %scan3A_118 : i32
      %scan3A_120 = arith.constant 10 : i32
      %scan3A_121:4 = scf.for %scan3A_149 = %scan3A_117 to %scan3A_119 step %scan3A_120 iter_args(%scan3A_150 = %broadcast_in_dim3A_116, %scan3A_151 = %broadcast_in_dim3A_116, %scan3A_152 = %broadcast_in_dim3A_116, %scan3A_153 = %broadcast_in_dim3A_116) -> (vector<16xf32>, vector<16xf32>, vector<16xf32>, vector<16xf32>)  : i32 {
        %add3A_154 = arith.constant 208 : i32
        %add3A_155 = arith.addi %add3A_154, %scan3A_149 : i32
        %get3A = arith.index_cast %add3A_155 : i32 to index
        %get3A_156 = arith.constant 0 : index
        %get3A_157 = tpu.vector_load %arg6[%get3A, %get3A_156] {strides = array<i32>} : memref<416x64xf32, #tpu.memory_space<vmem>>, vector<1x16xf32>,
        %get3A_158 = vector.shape_cast %get3A_157 : vector<1x16xf32> to vector<16xf32>
        %add3A_159 = arith.addf %scan3A_150, %get3A_158 : vector<16xf32>
        %get3A_160 = arith.index_cast %add3A_155 : i32 to index
        %get3A_161 = arith.constant 16 : index
        %get3A_162 = tpu.vector_load %arg6[%get3A_160, %get3A_161] {strides = array<i32>} : memref<416x64xf32, #tpu.memory_space<vmem>>, vector<1x16xf32>,
        %get3A_163 = vector.shape_cast %get3A_162 : vector<1x16xf32> to vector<16xf32>
        %add3A_164 = arith.addf %scan3A_151, %get3A_163 : vector<16xf32>
        %get3A_165 = arith.index_cast %add3A_155 : i32 to index
        %get3A_166 = arith.constant 32 : index
        %get3A_167 = tpu.vector_load %arg6[%get3A_165, %get3A_166] {strides = array<i32>} : memref<416x64xf32, #tpu.memory_space<vmem>>, vector<1x16xf32>,
        %get3A_168 = vector.shape_cast %get3A_167 : vector<1x16xf32> to vector<16xf32>
        %add3A_169 = arith.addf %scan3A_152, %get3A_168 : vector<16xf32>
        %get3A_170 = arith.index_cast %add3A_155 : i32 to index
        %get3A_171 = arith.constant 48 : index
        %get3A_172 = tpu.vector_load %arg6[%get3A_170, %get3A_171] {strides = array<i32>} : memref<416x64xf32, #tpu.memory_space<vmem>>, vector<1x16xf32>,
        %get3A_173 = vector.shape_cast %get3A_172 : vector<1x16xf32> to vector<16xf32>
        %add3A_174 = arith.addf %scan3A_153, %get3A_173 : vector<16xf32>
        %scan3A_175 = arith.constant 1 : i32
        %scan3A_176 = arith.addi %scan3A_149, %scan3A_175 : i32
        %add3A_177 = arith.constant 208 : i32
        %add3A_178 = arith.addi %add3A_177, %scan3A_176 : i32
        %get3A_179 = arith.index_cast %add3A_178 : i32 to index
        %get3A_180 = arith.constant 0 : index
        %get3A_181 = tpu.vector_load %arg6[%get3A_179, %get3A_180] {strides = array<i32>} : memref<416x64xf32, #tpu.memory_space<vmem>>, vector<1x16xf32>,
        %get3A_182 = vector.shape_cast %get3A_181 : vector<1x16xf32> to vector<16xf32>
        %add3A_183 = arith.addf %add3A_159, %get3A_182 : vector<16xf32>
        %get3A_184 = arith.index_cast %add3A_178 : i32 to index
        %get3A_185 = arith.constant 16 : index
        %get3A_186 = tpu.vector_load %arg6[%get3A_184, %get3A_185] {strides = array<i32>} : memref<416x64xf32, #tpu.memory_space<vmem>>, vector<1x16xf32>,
        %get3A_187 = vector.shape_cast %get3A_186 : vector<1x16xf32> to vector<16xf32>
        %add3A_188 = arith.addf %add3A_164, %get3A_187 : vector<16xf32>
        %get3A_189 = arith.index_cast %add3A_178 : i32 to index
        %get3A_190 = arith.constant 32 : index
        %get3A_191 = tpu.vector_load %arg6[%get3A_189, %get3A_190] {strides = array<i32>} : memref<416x64xf32, #tpu.memory_space<vmem>>, vector<1x16xf32>,
        %get3A_192 = vector.shape_cast %get3A_191 : vector<1x16xf32> to vector<16xf32>
        %add3A_193 = arith.addf %add3A_169, %get3A_192 : vector<16xf32>
        %get3A_194 = arith.index_cast %add3A_178 : i32 to index
        %get3A_195 = arith.constant 48 : index
        %get3A_196 = tpu.vector_load %arg6[%get3A_194, %get3A_195] {strides = array<i32>} : memref<416x64xf32, #tpu.memory_space<vmem>>, vector<1x16xf32>,
        %get3A_197 = vector.shape_cast %get3A_196 : vector<1x16xf32> to vector<16xf32>
        %add3A_198 = arith.addf %add3A_174, %get3A_197 : vector<16xf32>
        %scan3A_199 = arith.constant 2 : i32
        %scan3A_200 = arith.addi %scan3A_149, %scan3A_199 : i32
        %add3A_201 = arith.constant 208 : i32
        %add3A_202 = arith.addi %add3A_201, %scan3A_200 : i32
        %get3A_203 = arith.index_cast %add3A_202 : i32 to index
        %get3A_204 = arith.constant 0 : index
        %get3A_205 = tpu.vector_load %arg6[%get3A_203, %get3A_204] {strides = array<i32>} : memref<416x64xf32, #tpu.memory_space<vmem>>, vector<1x16xf32>,
        %get3A_206 = vector.shape_cast %get3A_205 : vector<1x16xf32> to vector<16xf32>
        %add3A_207 = arith.addf %add3A_183, %get3A_206 : vector<16xf32>
        %get3A_208 = arith.index_cast %add3A_202 : i32 to index
        %get3A_209 = arith.constant 16 : index
        %get3A_210 = tpu.vector_load %arg6[%get3A_208, %get3A_209] {strides = array<i32>} : memref<416x64xf32, #tpu.memory_space<vmem>>, vector<1x16xf32>,
        %get3A_211 = vector.shape_cast %get3A_210 : vector<1x16xf32> to vector<16xf32>
        %add3A_212 = arith.addf %add3A_188, %get3A_211 : vector<16xf32>
        %get3A_213 = arith.index_cast %add3A_202 : i32 to index
        %get3A_214 = arith.constant 32 : index
        %get3A_215 = tpu.vector_load %arg6[%get3A_213, %get3A_214] {strides = array<i32>} : memref<416x64xf32, #tpu.memory_space<vmem>>, vector<1x16xf32>,
        %get3A_216 = vector.shape_cast %get3A_215 : vector<1x16xf32> to vector<16xf32>
        %add3A_217 = arith.addf %add3A_193, %get3A_216 : vector<16xf32>
        %get3A_218 = arith.index_cast %add3A_202 : i32 to index
        %get3A_219 = arith.constant 48 : index
        %get3A_220 = tpu.vector_load %arg6[%get3A_218, %get3A_219] {strides = array<i32>} : memref<416x64xf32, #tpu.memory_space<vmem>>, vector<1x16xf32>,
        %get3A_221 = vector.shape_cast %get3A_220 : vector<1x16xf32> to vector<16xf32>
        %add3A_222 = arith.addf %add3A_198, %get3A_221 : vector<16xf32>
        %scan3A_223 = arith.constant 3 : i32
        %scan3A_224 = arith.addi %scan3A_149, %scan3A_223 : i32
        %add3A_225 = arith.constant 208 : i32
        %add3A_226 = arith.addi %add3A_225, %scan3A_224 : i32
        %get3A_227 = arith.index_cast %add3A_226 : i32 to index
        %get3A_228 = arith.constant 0 : index
        %get3A_229 = tpu.vector_load %arg6[%get3A_227, %get3A_228] {strides = array<i32>} : memref<416x64xf32, #tpu.memory_space<vmem>>, vector<1x16xf32>,
        %get3A_230 = vector.shape_cast %get3A_229 : vector<1x16xf32> to vector<16xf32>
        %add3A_231 = arith.addf %add3A_207, %get3A_230 : vector<16xf32>
        %get3A_232 = arith.index_cast %add3A_226 : i32 to index
        %get3A_233 = arith.constant 16 : index
        %get3A_234 = tpu.vector_load %arg6[%get3A_232, %get3A_233] {strides = array<i32>} : memref<416x64xf32, #tpu.memory_space<vmem>>, vector<1x16xf32>,
        %get3A_235 = vector.shape_cast %get3A_234 : vector<1x16xf32> to vector<16xf32>
        %add3A_236 = arith.addf %add3A_212, %get3A_235 : vector<16xf32>
        %get3A_237 = arith.index_cast %add3A_226 : i32 to index
        %get3A_238 = arith.constant 32 : index
        %get3A_239 = tpu.vector_load %arg6[%get3A_237, %get3A_238] {strides = array<i32>} : memref<416x64xf32, #tpu.memory_space<vmem>>, vector<1x16xf32>,
        %get3A_240 = vector.shape_cast %get3A_239 : vector<1x16xf32> to vector<16xf32>
        %add3A_241 = arith.addf %add3A_217, %get3A_240 : vector<16xf32>
        %get3A_242 = arith.index_cast %add3A_226 : i32 to index
        %get3A_243 = arith.constant 48 : index
        %get3A_244 = tpu.vector_load %arg6[%get3A_242, %get3A_243] {strides = array<i32>} : memref<416x64xf32, #tpu.memory_space<vmem>>, vector<1x16xf32>,
        %get3A_245 = vector.shape_cast %get3A_244 : vector<1x16xf32> to vector<16xf32>
        %add3A_246 = arith.addf %add3A_222, %get3A_245 : vector<16xf32>
        %scan3A_247 = arith.constant 4 : i32
        %scan3A_248 = arith.addi %scan3A_149, %scan3A_247 : i32
        %add3A_249 = arith.constant 208 : i32
        %add3A_250 = arith.addi %add3A_249, %scan3A_248 : i32
        %get3A_251 = arith.index_cast %add3A_250 : i32 to index
        %get3A_252 = arith.constant 0 : index
        %get3A_253 = tpu.vector_load %arg6[%get3A_251, %get3A_252] {strides = array<i32>} : memref<416x64xf32, #tpu.memory_space<vmem>>, vector<1x16xf32>,
        %get3A_254 = vector.shape_cast %get3A_253 : vector<1x16xf32> to vector<16xf32>
        %add3A_255 = arith.addf %add3A_231, %get3A_254 : vector<16xf32>
        %get3A_256 = arith.index_cast %add3A_250 : i32 to index
        %get3A_257 = arith.constant 16 : index
        %get3A_258 = tpu.vector_load %arg6[%get3A_256, %get3A_257] {strides = array<i32>} : memref<416x64xf32, #tpu.memory_space<vmem>>, vector<1x16xf32>,
        %get3A_259 = vector.shape_cast %get3A_258 : vector<1x16xf32> to vector<16xf32>
        %add3A_260 = arith.addf %add3A_236, %get3A_259 : vector<16xf32>
        %get3A_261 = arith.index_cast %add3A_250 : i32 to index
        %get3A_262 = arith.constant 32 : index
        %get3A_263 = tpu.vector_load %arg6[%get3A_261, %get3A_262] {strides = array<i32>} : memref<416x64xf32, #tpu.memory_space<vmem>>, vector<1x16xf32>,
        %get3A_264 = vector.shape_cast %get3A_263 : vector<1x16xf32> to vector<16xf32>
        %add3A_265 = arith.addf %add3A_241, %get3A_264 : vector<16xf32>
        %get3A_266 = arith.index_cast %add3A_250 : i32 to index
        %get3A_267 = arith.constant 48 : index
        %get3A_268 = tpu.vector_load %arg6[%get3A_266, %get3A_267] {strides = array<i32>} : memref<416x64xf32, #tpu.memory_space<vmem>>, vector<1x16xf32>,
        %get3A_269 = vector.shape_cast %get3A_268 : vector<1x16xf32> to vector<16xf32>
        %add3A_270 = arith.addf %add3A_246, %get3A_269 : vector<16xf32>
        %scan3A_271 = arith.constant 5 : i32
        %scan3A_272 = arith.addi %scan3A_149, %scan3A_271 : i32
        %add3A_273 = arith.constant 208 : i32
        %add3A_274 = arith.addi %add3A_273, %scan3A_272 : i32
        %get3A_275 = arith.index_cast %add3A_274 : i32 to index
        %get3A_276 = arith.constant 0 : index
        %get3A_277 = tpu.vector_load %arg6[%get3A_275, %get3A_276] {strides = array<i32>} : memref<416x64xf32, #tpu.memory_space<vmem>>, vector<1x16xf32>,
        %get3A_278 = vector.shape_cast %get3A_277 : vector<1x16xf32> to vector<16xf32>
        %add3A_279 = arith.addf %add3A_255, %get3A_278 : vector<16xf32>
        %get3A_280 = arith.index_cast %add3A_274 : i32 to index
        %get3A_281 = arith.constant 16 : index
        %get3A_282 = tpu.vector_load %arg6[%get3A_280, %get3A_281] {strides = array<i32>} : memref<416x64xf32, #tpu.memory_space<vmem>>, vector<1x16xf32>,
        %get3A_283 = vector.shape_cast %get3A_282 : vector<1x16xf32> to vector<16xf32>
        %add3A_284 = arith.addf %add3A_260, %get3A_283 : vector<16xf32>
        %get3A_285 = arith.index_cast %add3A_274 : i32 to index
        %get3A_286 = arith.constant 32 : index
        %get3A_287 = tpu.vector_load %arg6[%get3A_285, %get3A_286] {strides = array<i32>} : memref<416x64xf32, #tpu.memory_space<vmem>>, vector<1x16xf32>,
        %get3A_288 = vector.shape_cast %get3A_287 : vector<1x16xf32> to vector<16xf32>
        %add3A_289 = arith.addf %add3A_265, %get3A_288 : vector<16xf32>
        %get3A_290 = arith.index_cast %add3A_274 : i32 to index
        %get3A_291 = arith.constant 48 : index
        %get3A_292 = tpu.vector_load %arg6[%get3A_290, %get3A_291] {strides = array<i32>} : memref<416x64xf32, #tpu.memory_space<vmem>>, vector<1x16xf32>,
        %get3A_293 = vector.shape_cast %get3A_292 : vector<1x16xf32> to vector<16xf32>
        %add3A_294 = arith.addf %add3A_270, %get3A_293 : vector<16xf32>
        %scan3A_295 = arith.constant 6 : i32
        %scan3A_296 = arith.addi %scan3A_149, %scan3A_295 : i32
        %add3A_297 = arith.constant 208 : i32
        %add3A_298 = arith.addi %add3A_297, %scan3A_296 : i32
        %get3A_299 = arith.index_cast %add3A_298 : i32 to index
        %get3A_300 = arith.constant 0 : index
        %get3A_301 = tpu.vector_load %arg6[%get3A_299, %get3A_300] {strides = array<i32>} : memref<416x64xf32, #tpu.memory_space<vmem>>, vector<1x16xf32>,
        %get3A_302 = vector.shape_cast %get3A_301 : vector<1x16xf32> to vector<16xf32>
        %add3A_303 = arith.addf %add3A_279, %get3A_302 : vector<16xf32>
        %get3A_304 = arith.index_cast %add3A_298 : i32 to index
        %get3A_305 = arith.constant 16 : index
        %get3A_306 = tpu.vector_load %arg6[%get3A_304, %get3A_305] {strides = array<i32>} : memref<416x64xf32, #tpu.memory_space<vmem>>, vector<1x16xf32>,
        %get3A_307 = vector.shape_cast %get3A_306 : vector<1x16xf32> to vector<16xf32>
        %add3A_308 = arith.addf %add3A_284, %get3A_307 : vector<16xf32>
        %get3A_309 = arith.index_cast %add3A_298 : i32 to index
        %get3A_310 = arith.constant 32 : index
        %get3A_311 = tpu.vector_load %arg6[%get3A_309, %get3A_310] {strides = array<i32>} : memref<416x64xf32, #tpu.memory_space<vmem>>, vector<1x16xf32>,
        %get3A_312 = vector.shape_cast %get3A_311 : vector<1x16xf32> to vector<16xf32>
        %add3A_313 = arith.addf %add3A_289, %get3A_312 : vector<16xf32>
        %get3A_314 = arith.index_cast %add3A_298 : i32 to index
        %get3A_315 = arith.constant 48 : index
        %get3A_316 = tpu.vector_load %arg6[%get3A_314, %get3A_315] {strides = array<i32>} : memref<416x64xf32, #tpu.memory_space<vmem>>, vector<1x16xf32>,
        %get3A_317 = vector.shape_cast %get3A_316 : vector<1x16xf32> to vector<16xf32>
        %add3A_318 = arith.addf %add3A_294, %get3A_317 : vector<16xf32>
        %scan3A_319 = arith.constant 7 : i32
        %scan3A_320 = arith.addi %scan3A_149, %scan3A_319 : i32
        %add3A_321 = arith.constant 208 : i32
        %add3A_322 = arith.addi %add3A_321, %scan3A_320 : i32
        %get3A_323 = arith.index_cast %add3A_322 : i32 to index
        %get3A_324 = arith.constant 0 : index
        %get3A_325 = tpu.vector_load %arg6[%get3A_323, %get3A_324] {strides = array<i32>} : memref<416x64xf32, #tpu.memory_space<vmem>>, vector<1x16xf32>,
        %get3A_326 = vector.shape_cast %get3A_325 : vector<1x16xf32> to vector<16xf32>
        %add3A_327 = arith.addf %add3A_303, %get3A_326 : vector<16xf32>
        %get3A_328 = arith.index_cast %add3A_322 : i32 to index
        %get3A_329 = arith.constant 16 : index
        %get3A_330 = tpu.vector_load %arg6[%get3A_328, %get3A_329] {strides = array<i32>} : memref<416x64xf32, #tpu.memory_space<vmem>>, vector<1x16xf32>,
        %get3A_331 = vector.shape_cast %get3A_330 : vector<1x16xf32> to vector<16xf32>
        %add3A_332 = arith.addf %add3A_308, %get3A_331 : vector<16xf32>
        %get3A_333 = arith.index_cast %add3A_322 : i32 to index
        %get3A_334 = arith.constant 32 : index
        %get3A_335 = tpu.vector_load %arg6[%get3A_333, %get3A_334] {strides = array<i32>} : memref<416x64xf32, #tpu.memory_space<vmem>>, vector<1x16xf32>,
        %get3A_336 = vector.shape_cast %get3A_335 : vector<1x16xf32> to vector<16xf32>
        %add3A_337 = arith.addf %add3A_313, %get3A_336 : vector<16xf32>
        %get3A_338 = arith.index_cast %add3A_322 : i32 to index
        %get3A_339 = arith.constant 48 : index
        %get3A_340 = tpu.vector_load %arg6[%get3A_338, %get3A_339] {strides = array<i32>} : memref<416x64xf32, #tpu.memory_space<vmem>>, vector<1x16xf32>,
        %get3A_341 = vector.shape_cast %get3A_340 : vector<1x16xf32> to vector<16xf32>
        %add3A_342 = arith.addf %add3A_318, %get3A_341 : vector<16xf32>
        %scan3A_343 = arith.constant 8 : i32
        %scan3A_344 = arith.addi %scan3A_149, %scan3A_343 : i32
        %add3A_345 = arith.constant 208 : i32
        %add3A_346 = arith.addi %add3A_345, %scan3A_344 : i32
        %get3A_347 = arith.index_cast %add3A_346 : i32 to index
        %get3A_348 = arith.constant 0 : index
        %get3A_349 = tpu.vector_load %arg6[%get3A_347, %get3A_348] {strides = array<i32>} : memref<416x64xf32, #tpu.memory_space<vmem>>, vector<1x16xf32>,
        %get3A_350 = vector.shape_cast %get3A_349 : vector<1x16xf32> to vector<16xf32>
        %add3A_351 = arith.addf %add3A_327, %get3A_350 : vector<16xf32>
        %get3A_352 = arith.index_cast %add3A_346 : i32 to index
        %get3A_353 = arith.constant 16 : index
        %get3A_354 = tpu.vector_load %arg6[%get3A_352, %get3A_353] {strides = array<i32>} : memref<416x64xf32, #tpu.memory_space<vmem>>, vector<1x16xf32>,
        %get3A_355 = vector.shape_cast %get3A_354 : vector<1x16xf32> to vector<16xf32>
        %add3A_356 = arith.addf %add3A_332, %get3A_355 : vector<16xf32>
        %get3A_357 = arith.index_cast %add3A_346 : i32 to index
        %get3A_358 = arith.constant 32 : index
        %get3A_359 = tpu.vector_load %arg6[%get3A_357, %get3A_358] {strides = array<i32>} : memref<416x64xf32, #tpu.memory_space<vmem>>, vector<1x16xf32>,
        %get3A_360 = vector.shape_cast %get3A_359 : vector<1x16xf32> to vector<16xf32>
        %add3A_361 = arith.addf %add3A_337, %get3A_360 : vector<16xf32>
        %get3A_362 = arith.index_cast %add3A_346 : i32 to index
        %get3A_363 = arith.constant 48 : index
        %get3A_364 = tpu.vector_load %arg6[%get3A_362, %get3A_363] {strides = array<i32>} : memref<416x64xf32, #tpu.memory_space<vmem>>, vector<1x16xf32>,
        %get3A_365 = vector.shape_cast %get3A_364 : vector<1x16xf32> to vector<16xf32>
        %add3A_366 = arith.addf %add3A_342, %get3A_365 : vector<16xf32>
        %scan3A_367 = arith.constant 9 : i32
        %scan3A_368 = arith.addi %scan3A_149, %scan3A_367 : i32
        %add3A_369 = arith.constant 208 : i32
        %add3A_370 = arith.addi %add3A_369, %scan3A_368 : i32
        %get3A_371 = arith.index_cast %add3A_370 : i32 to index
        %get3A_372 = arith.constant 0 : index
        %get3A_373 = tpu.vector_load %arg6[%get3A_371, %get3A_372] {strides = array<i32>} : memref<416x64xf32, #tpu.memory_space<vmem>>, vector<1x16xf32>,
        %get3A_374 = vector.shape_cast %get3A_373 : vector<1x16xf32> to vector<16xf32>
        %add3A_375 = arith.addf %add3A_351, %get3A_374 : vector<16xf32>
        %get3A_376 = arith.index_cast %add3A_370 : i32 to index
        %get3A_377 = arith.constant 16 : index
        %get3A_378 = tpu.vector_load %arg6[%get3A_376, %get3A_377] {strides = array<i32>} : memref<416x64xf32, #tpu.memory_space<vmem>>, vector<1x16xf32>,
        %get3A_379 = vector.shape_cast %get3A_378 : vector<1x16xf32> to vector<16xf32>
        %add3A_380 = arith.addf %add3A_356, %get3A_379 : vector<16xf32>
        %get3A_381 = arith.index_cast %add3A_370 : i32 to index
        %get3A_382 = arith.constant 32 : index
        %get3A_383 = tpu.vector_load %arg6[%get3A_381, %get3A_382] {strides = array<i32>} : memref<416x64xf32, #tpu.memory_space<vmem>>, vector<1x16xf32>,
        %get3A_384 = vector.shape_cast %get3A_383 : vector<1x16xf32> to vector<16xf32>
        %add3A_385 = arith.addf %add3A_361, %get3A_384 : vector<16xf32>
        %get3A_386 = arith.index_cast %add3A_370 : i32 to index
        %get3A_387 = arith.constant 48 : index
        %get3A_388 = tpu.vector_load %arg6[%get3A_386, %get3A_387] {strides = array<i32>} : memref<416x64xf32, #tpu.memory_space<vmem>>, vector<1x16xf32>,
        %get3A_389 = vector.shape_cast %get3A_388 : vector<1x16xf32> to vector<16xf32>
        %add3A_390 = arith.addf %add3A_366, %get3A_389 : vector<16xf32>
        scf.yield %add3A_375, %add3A_380, %add3A_385, %add3A_390 : vector<16xf32>, vector<16xf32>, vector<16xf32>, vector<16xf32>
      }
      %scan3A_122 = arith.constant 100 : i32
      %scan3A_123 = arith.constant 0 : i32
      %scan3A_124 = arith.constant 100 : i32
      %scan3A_125 = arith.addi %scan3A_123, %scan3A_124 : i32
      %scan3A_126 = arith.constant 10 : i32
      %scan3A_127:4 = scf.for %scan3A_149 = %scan3A_123 to %scan3A_125 step %scan3A_126 iter_args(%scan3A_150 = %scan3A_121#0, %scan3A_151 = %scan3A_121#1, %scan3A_152 = %scan3A_121#2, %scan3A_153 = %scan3A_121#3) -> (vector<16xf32>, vector<16xf32>, vector<16xf32>, vector<16xf32>)  : i32 {
        %add3A_154 = arith.constant 312 : i32
        %add3A_155 = arith.addi %add3A_154, %scan3A_149 : i32
        %get3A = arith.index_cast %add3A_155 : i32 to index
        %get3A_156 = arith.constant 0 : index
        %get3A_157 = tpu.vector_load %arg6[%get3A, %get3A_156] {strides = array<i32>} : memref<416x64xf32, #tpu.memory_space<vmem>>, vector<1x16xf32>,
        %get3A_158 = vector.shape_cast %get3A_157 : vector<1x16xf32> to vector<16xf32>
        %add3A_159 = arith.addf %scan3A_150, %get3A_158 : vector<16xf32>
        %get3A_160 = arith.index_cast %add3A_155 : i32 to index
        %get3A_161 = arith.constant 16 : index
        %get3A_162 = tpu.vector_load %arg6[%get3A_160, %get3A_161] {strides = array<i32>} : memref<416x64xf32, #tpu.memory_space<vmem>>, vector<1x16xf32>,
        %get3A_163 = vector.shape_cast %get3A_162 : vector<1x16xf32> to vector<16xf32>
        %add3A_164 = arith.addf %scan3A_151, %get3A_163 : vector<16xf32>
        %get3A_165 = arith.index_cast %add3A_155 : i32 to index
        %get3A_166 = arith.constant 32 : index
        %get3A_167 = tpu.vector_load %arg6[%get3A_165, %get3A_166] {strides = array<i32>} : memref<416x64xf32, #tpu.memory_space<vmem>>, vector<1x16xf32>,
        %get3A_168 = vector.shape_cast %get3A_167 : vector<1x16xf32> to vector<16xf32>
        %add3A_169 = arith.addf %scan3A_152, %get3A_168 : vector<16xf32>
        %get3A_170 = arith.index_cast %add3A_155 : i32 to index
        %get3A_171 = arith.constant 48 : index
        %get3A_172 = tpu.vector_load %arg6[%get3A_170, %get3A_171] {strides = array<i32>} : memref<416x64xf32, #tpu.memory_space<vmem>>, vector<1x16xf32>,
        %get3A_173 = vector.shape_cast %get3A_172 : vector<1x16xf32> to vector<16xf32>
        %add3A_174 = arith.addf %scan3A_153, %get3A_173 : vector<16xf32>
        %scan3A_175 = arith.constant 1 : i32
        %scan3A_176 = arith.addi %scan3A_149, %scan3A_175 : i32
        %add3A_177 = arith.constant 312 : i32
        %add3A_178 = arith.addi %add3A_177, %scan3A_176 : i32
        %get3A_179 = arith.index_cast %add3A_178 : i32 to index
        %get3A_180 = arith.constant 0 : index
        %get3A_181 = tpu.vector_load %arg6[%get3A_179, %get3A_180] {strides = array<i32>} : memref<416x64xf32, #tpu.memory_space<vmem>>, vector<1x16xf32>,
        %get3A_182 = vector.shape_cast %get3A_181 : vector<1x16xf32> to vector<16xf32>
        %add3A_183 = arith.addf %add3A_159, %get3A_182 : vector<16xf32>
        %get3A_184 = arith.index_cast %add3A_178 : i32 to index
        %get3A_185 = arith.constant 16 : index
        %get3A_186 = tpu.vector_load %arg6[%get3A_184, %get3A_185] {strides = array<i32>} : memref<416x64xf32, #tpu.memory_space<vmem>>, vector<1x16xf32>,
        %get3A_187 = vector.shape_cast %get3A_186 : vector<1x16xf32> to vector<16xf32>
        %add3A_188 = arith.addf %add3A_164, %get3A_187 : vector<16xf32>
        %get3A_189 = arith.index_cast %add3A_178 : i32 to index
        %get3A_190 = arith.constant 32 : index
        %get3A_191 = tpu.vector_load %arg6[%get3A_189, %get3A_190] {strides = array<i32>} : memref<416x64xf32, #tpu.memory_space<vmem>>, vector<1x16xf32>,
        %get3A_192 = vector.shape_cast %get3A_191 : vector<1x16xf32> to vector<16xf32>
        %add3A_193 = arith.addf %add3A_169, %get3A_192 : vector<16xf32>
        %get3A_194 = arith.index_cast %add3A_178 : i32 to index
        %get3A_195 = arith.constant 48 : index
        %get3A_196 = tpu.vector_load %arg6[%get3A_194, %get3A_195] {strides = array<i32>} : memref<416x64xf32, #tpu.memory_space<vmem>>, vector<1x16xf32>,
        %get3A_197 = vector.shape_cast %get3A_196 : vector<1x16xf32> to vector<16xf32>
        %add3A_198 = arith.addf %add3A_174, %get3A_197 : vector<16xf32>
        %scan3A_199 = arith.constant 2 : i32
        %scan3A_200 = arith.addi %scan3A_149, %scan3A_199 : i32
        %add3A_201 = arith.constant 312 : i32
        %add3A_202 = arith.addi %add3A_201, %scan3A_200 : i32
        %get3A_203 = arith.index_cast %add3A_202 : i32 to index
        %get3A_204 = arith.constant 0 : index
        %get3A_205 = tpu.vector_load %arg6[%get3A_203, %get3A_204] {strides = array<i32>} : memref<416x64xf32, #tpu.memory_space<vmem>>, vector<1x16xf32>,
        %get3A_206 = vector.shape_cast %get3A_205 : vector<1x16xf32> to vector<16xf32>
        %add3A_207 = arith.addf %add3A_183, %get3A_206 : vector<16xf32>
        %get3A_208 = arith.index_cast %add3A_202 : i32 to index
        %get3A_209 = arith.constant 16 : index
        %get3A_210 = tpu.vector_load %arg6[%get3A_208, %get3A_209] {strides = array<i32>} : memref<416x64xf32, #tpu.memory_space<vmem>>, vector<1x16xf32>,
        %get3A_211 = vector.shape_cast %get3A_210 : vector<1x16xf32> to vector<16xf32>
        %add3A_212 = arith.addf %add3A_188, %get3A_211 : vector<16xf32>
        %get3A_213 = arith.index_cast %add3A_202 : i32 to index
        %get3A_214 = arith.constant 32 : index
        %get3A_215 = tpu.vector_load %arg6[%get3A_213, %get3A_214] {strides = array<i32>} : memref<416x64xf32, #tpu.memory_space<vmem>>, vector<1x16xf32>,
        %get3A_216 = vector.shape_cast %get3A_215 : vector<1x16xf32> to vector<16xf32>
        %add3A_217 = arith.addf %add3A_193, %get3A_216 : vector<16xf32>
        %get3A_218 = arith.index_cast %add3A_202 : i32 to index
        %get3A_219 = arith.constant 48 : index
        %get3A_220 = tpu.vector_load %arg6[%get3A_218, %get3A_219] {strides = array<i32>} : memref<416x64xf32, #tpu.memory_space<vmem>>, vector<1x16xf32>,
        %get3A_221 = vector.shape_cast %get3A_220 : vector<1x16xf32> to vector<16xf32>
        %add3A_222 = arith.addf %add3A_198, %get3A_221 : vector<16xf32>
        %scan3A_223 = arith.constant 3 : i32
        %scan3A_224 = arith.addi %scan3A_149, %scan3A_223 : i32
        %add3A_225 = arith.constant 312 : i32
        %add3A_226 = arith.addi %add3A_225, %scan3A_224 : i32
        %get3A_227 = arith.index_cast %add3A_226 : i32 to index
        %get3A_228 = arith.constant 0 : index
        %get3A_229 = tpu.vector_load %arg6[%get3A_227, %get3A_228] {strides = array<i32>} : memref<416x64xf32, #tpu.memory_space<vmem>>, vector<1x16xf32>,
        %get3A_230 = vector.shape_cast %get3A_229 : vector<1x16xf32> to vector<16xf32>
        %add3A_231 = arith.addf %add3A_207, %get3A_230 : vector<16xf32>
        %get3A_232 = arith.index_cast %add3A_226 : i32 to index
        %get3A_233 = arith.constant 16 : index
        %get3A_234 = tpu.vector_load %arg6[%get3A_232, %get3A_233] {strides = array<i32>} : memref<416x64xf32, #tpu.memory_space<vmem>>, vector<1x16xf32>,
        %get3A_235 = vector.shape_cast %get3A_234 : vector<1x16xf32> to vector<16xf32>
        %add3A_236 = arith.addf %add3A_212, %get3A_235 : vector<16xf32>
        %get3A_237 = arith.index_cast %add3A_226 : i32 to index
        %get3A_238 = arith.constant 32 : index
        %get3A_239 = tpu.vector_load %arg6[%get3A_237, %get3A_238] {strides = array<i32>} : memref<416x64xf32, #tpu.memory_space<vmem>>, vector<1x16xf32>,
        %get3A_240 = vector.shape_cast %get3A_239 : vector<1x16xf32> to vector<16xf32>
        %add3A_241 = arith.addf %add3A_217, %get3A_240 : vector<16xf32>
        %get3A_242 = arith.index_cast %add3A_226 : i32 to index
        %get3A_243 = arith.constant 48 : index
        %get3A_244 = tpu.vector_load %arg6[%get3A_242, %get3A_243] {strides = array<i32>} : memref<416x64xf32, #tpu.memory_space<vmem>>, vector<1x16xf32>,
        %get3A_245 = vector.shape_cast %get3A_244 : vector<1x16xf32> to vector<16xf32>
        %add3A_246 = arith.addf %add3A_222, %get3A_245 : vector<16xf32>
        %scan3A_247 = arith.constant 4 : i32
        %scan3A_248 = arith.addi %scan3A_149, %scan3A_247 : i32
        %add3A_249 = arith.constant 312 : i32
        %add3A_250 = arith.addi %add3A_249, %scan3A_248 : i32
        %get3A_251 = arith.index_cast %add3A_250 : i32 to index
        %get3A_252 = arith.constant 0 : index
        %get3A_253 = tpu.vector_load %arg6[%get3A_251, %get3A_252] {strides = array<i32>} : memref<416x64xf32, #tpu.memory_space<vmem>>, vector<1x16xf32>,
        %get3A_254 = vector.shape_cast %get3A_253 : vector<1x16xf32> to vector<16xf32>
        %add3A_255 = arith.addf %add3A_231, %get3A_254 : vector<16xf32>
        %get3A_256 = arith.index_cast %add3A_250 : i32 to index
        %get3A_257 = arith.constant 16 : index
        %get3A_258 = tpu.vector_load %arg6[%get3A_256, %get3A_257] {strides = array<i32>} : memref<416x64xf32, #tpu.memory_space<vmem>>, vector<1x16xf32>,
        %get3A_259 = vector.shape_cast %get3A_258 : vector<1x16xf32> to vector<16xf32>
        %add3A_260 = arith.addf %add3A_236, %get3A_259 : vector<16xf32>
        %get3A_261 = arith.index_cast %add3A_250 : i32 to index
        %get3A_262 = arith.constant 32 : index
        %get3A_263 = tpu.vector_load %arg6[%get3A_261, %get3A_262] {strides = array<i32>} : memref<416x64xf32, #tpu.memory_space<vmem>>, vector<1x16xf32>,
        %get3A_264 = vector.shape_cast %get3A_263 : vector<1x16xf32> to vector<16xf32>
        %add3A_265 = arith.addf %add3A_241, %get3A_264 : vector<16xf32>
        %get3A_266 = arith.index_cast %add3A_250 : i32 to index
        %get3A_267 = arith.constant 48 : index
        %get3A_268 = tpu.vector_load %arg6[%get3A_266, %get3A_267] {strides = array<i32>} : memref<416x64xf32, #tpu.memory_space<vmem>>, vector<1x16xf32>,
        %get3A_269 = vector.shape_cast %get3A_268 : vector<1x16xf32> to vector<16xf32>
        %add3A_270 = arith.addf %add3A_246, %get3A_269 : vector<16xf32>
        %scan3A_271 = arith.constant 5 : i32
        %scan3A_272 = arith.addi %scan3A_149, %scan3A_271 : i32
        %add3A_273 = arith.constant 312 : i32
        %add3A_274 = arith.addi %add3A_273, %scan3A_272 : i32
        %get3A_275 = arith.index_cast %add3A_274 : i32 to index
        %get3A_276 = arith.constant 0 : index
        %get3A_277 = tpu.vector_load %arg6[%get3A_275, %get3A_276] {strides = array<i32>} : memref<416x64xf32, #tpu.memory_space<vmem>>, vector<1x16xf32>,
        %get3A_278 = vector.shape_cast %get3A_277 : vector<1x16xf32> to vector<16xf32>
        %add3A_279 = arith.addf %add3A_255, %get3A_278 : vector<16xf32>
        %get3A_280 = arith.index_cast %add3A_274 : i32 to index
        %get3A_281 = arith.constant 16 : index
        %get3A_282 = tpu.vector_load %arg6[%get3A_280, %get3A_281] {strides = array<i32>} : memref<416x64xf32, #tpu.memory_space<vmem>>, vector<1x16xf32>,
        %get3A_283 = vector.shape_cast %get3A_282 : vector<1x16xf32> to vector<16xf32>
        %add3A_284 = arith.addf %add3A_260, %get3A_283 : vector<16xf32>
        %get3A_285 = arith.index_cast %add3A_274 : i32 to index
        %get3A_286 = arith.constant 32 : index
        %get3A_287 = tpu.vector_load %arg6[%get3A_285, %get3A_286] {strides = array<i32>} : memref<416x64xf32, #tpu.memory_space<vmem>>, vector<1x16xf32>,
        %get3A_288 = vector.shape_cast %get3A_287 : vector<1x16xf32> to vector<16xf32>
        %add3A_289 = arith.addf %add3A_265, %get3A_288 : vector<16xf32>
        %get3A_290 = arith.index_cast %add3A_274 : i32 to index
        %get3A_291 = arith.constant 48 : index
        %get3A_292 = tpu.vector_load %arg6[%get3A_290, %get3A_291] {strides = array<i32>} : memref<416x64xf32, #tpu.memory_space<vmem>>, vector<1x16xf32>,
        %get3A_293 = vector.shape_cast %get3A_292 : vector<1x16xf32> to vector<16xf32>
        %add3A_294 = arith.addf %add3A_270, %get3A_293 : vector<16xf32>
        %scan3A_295 = arith.constant 6 : i32
        %scan3A_296 = arith.addi %scan3A_149, %scan3A_295 : i32
        %add3A_297 = arith.constant 312 : i32
        %add3A_298 = arith.addi %add3A_297, %scan3A_296 : i32
        %get3A_299 = arith.index_cast %add3A_298 : i32 to index
        %get3A_300 = arith.constant 0 : index
        %get3A_301 = tpu.vector_load %arg6[%get3A_299, %get3A_300] {strides = array<i32>} : memref<416x64xf32, #tpu.memory_space<vmem>>, vector<1x16xf32>,
        %get3A_302 = vector.shape_cast %get3A_301 : vector<1x16xf32> to vector<16xf32>
        %add3A_303 = arith.addf %add3A_279, %get3A_302 : vector<16xf32>
        %get3A_304 = arith.index_cast %add3A_298 : i32 to index
        %get3A_305 = arith.constant 16 : index
        %get3A_306 = tpu.vector_load %arg6[%get3A_304, %get3A_305] {strides = array<i32>} : memref<416x64xf32, #tpu.memory_space<vmem>>, vector<1x16xf32>,
        %get3A_307 = vector.shape_cast %get3A_306 : vector<1x16xf32> to vector<16xf32>
        %add3A_308 = arith.addf %add3A_284, %get3A_307 : vector<16xf32>
        %get3A_309 = arith.index_cast %add3A_298 : i32 to index
        %get3A_310 = arith.constant 32 : index
        %get3A_311 = tpu.vector_load %arg6[%get3A_309, %get3A_310] {strides = array<i32>} : memref<416x64xf32, #tpu.memory_space<vmem>>, vector<1x16xf32>,
        %get3A_312 = vector.shape_cast %get3A_311 : vector<1x16xf32> to vector<16xf32>
        %add3A_313 = arith.addf %add3A_289, %get3A_312 : vector<16xf32>
        %get3A_314 = arith.index_cast %add3A_298 : i32 to index
        %get3A_315 = arith.constant 48 : index
        %get3A_316 = tpu.vector_load %arg6[%get3A_314, %get3A_315] {strides = array<i32>} : memref<416x64xf32, #tpu.memory_space<vmem>>, vector<1x16xf32>,
        %get3A_317 = vector.shape_cast %get3A_316 : vector<1x16xf32> to vector<16xf32>
        %add3A_318 = arith.addf %add3A_294, %get3A_317 : vector<16xf32>
        %scan3A_319 = arith.constant 7 : i32
        %scan3A_320 = arith.addi %scan3A_149, %scan3A_319 : i32
        %add3A_321 = arith.constant 312 : i32
        %add3A_322 = arith.addi %add3A_321, %scan3A_320 : i32
        %get3A_323 = arith.index_cast %add3A_322 : i32 to index
        %get3A_324 = arith.constant 0 : index
        %get3A_325 = tpu.vector_load %arg6[%get3A_323, %get3A_324] {strides = array<i32>} : memref<416x64xf32, #tpu.memory_space<vmem>>, vector<1x16xf32>,
        %get3A_326 = vector.shape_cast %get3A_325 : vector<1x16xf32> to vector<16xf32>
        %add3A_327 = arith.addf %add3A_303, %get3A_326 : vector<16xf32>
        %get3A_328 = arith.index_cast %add3A_322 : i32 to index
        %get3A_329 = arith.constant 16 : index
        %get3A_330 = tpu.vector_load %arg6[%get3A_328, %get3A_329] {strides = array<i32>} : memref<416x64xf32, #tpu.memory_space<vmem>>, vector<1x16xf32>,
        %get3A_331 = vector.shape_cast %get3A_330 : vector<1x16xf32> to vector<16xf32>
        %add3A_332 = arith.addf %add3A_308, %get3A_331 : vector<16xf32>
        %get3A_333 = arith.index_cast %add3A_322 : i32 to index
        %get3A_334 = arith.constant 32 : index
        %get3A_335 = tpu.vector_load %arg6[%get3A_333, %get3A_334] {strides = array<i32>} : memref<416x64xf32, #tpu.memory_space<vmem>>, vector<1x16xf32>,
        %get3A_336 = vector.shape_cast %get3A_335 : vector<1x16xf32> to vector<16xf32>
        %add3A_337 = arith.addf %add3A_313, %get3A_336 : vector<16xf32>
        %get3A_338 = arith.index_cast %add3A_322 : i32 to index
        %get3A_339 = arith.constant 48 : index
        %get3A_340 = tpu.vector_load %arg6[%get3A_338, %get3A_339] {strides = array<i32>} : memref<416x64xf32, #tpu.memory_space<vmem>>, vector<1x16xf32>,
        %get3A_341 = vector.shape_cast %get3A_340 : vector<1x16xf32> to vector<16xf32>
        %add3A_342 = arith.addf %add3A_318, %get3A_341 : vector<16xf32>
        %scan3A_343 = arith.constant 8 : i32
        %scan3A_344 = arith.addi %scan3A_149, %scan3A_343 : i32
        %add3A_345 = arith.constant 312 : i32
        %add3A_346 = arith.addi %add3A_345, %scan3A_344 : i32
        %get3A_347 = arith.index_cast %add3A_346 : i32 to index
        %get3A_348 = arith.constant 0 : index
        %get3A_349 = tpu.vector_load %arg6[%get3A_347, %get3A_348] {strides = array<i32>} : memref<416x64xf32, #tpu.memory_space<vmem>>, vector<1x16xf32>,
        %get3A_350 = vector.shape_cast %get3A_349 : vector<1x16xf32> to vector<16xf32>
        %add3A_351 = arith.addf %add3A_327, %get3A_350 : vector<16xf32>
        %get3A_352 = arith.index_cast %add3A_346 : i32 to index
        %get3A_353 = arith.constant 16 : index
        %get3A_354 = tpu.vector_load %arg6[%get3A_352, %get3A_353] {strides = array<i32>} : memref<416x64xf32, #tpu.memory_space<vmem>>, vector<1x16xf32>,
        %get3A_355 = vector.shape_cast %get3A_354 : vector<1x16xf32> to vector<16xf32>
        %add3A_356 = arith.addf %add3A_332, %get3A_355 : vector<16xf32>
        %get3A_357 = arith.index_cast %add3A_346 : i32 to index
        %get3A_358 = arith.constant 32 : index
        %get3A_359 = tpu.vector_load %arg6[%get3A_357, %get3A_358] {strides = array<i32>} : memref<416x64xf32, #tpu.memory_space<vmem>>, vector<1x16xf32>,
        %get3A_360 = vector.shape_cast %get3A_359 : vector<1x16xf32> to vector<16xf32>
        %add3A_361 = arith.addf %add3A_337, %get3A_360 : vector<16xf32>
        %get3A_362 = arith.index_cast %add3A_346 : i32 to index
        %get3A_363 = arith.constant 48 : index
        %get3A_364 = tpu.vector_load %arg6[%get3A_362, %get3A_363] {strides = array<i32>} : memref<416x64xf32, #tpu.memory_space<vmem>>, vector<1x16xf32>,
        %get3A_365 = vector.shape_cast %get3A_364 : vector<1x16xf32> to vector<16xf32>
        %add3A_366 = arith.addf %add3A_342, %get3A_365 : vector<16xf32>
        %scan3A_367 = arith.constant 9 : i32
        %scan3A_368 = arith.addi %scan3A_149, %scan3A_367 : i32
        %add3A_369 = arith.constant 312 : i32
        %add3A_370 = arith.addi %add3A_369, %scan3A_368 : i32
        %get3A_371 = arith.index_cast %add3A_370 : i32 to index
        %get3A_372 = arith.constant 0 : index
        %get3A_373 = tpu.vector_load %arg6[%get3A_371, %get3A_372] {strides = array<i32>} : memref<416x64xf32, #tpu.memory_space<vmem>>, vector<1x16xf32>,
        %get3A_374 = vector.shape_cast %get3A_373 : vector<1x16xf32> to vector<16xf32>
        %add3A_375 = arith.addf %add3A_351, %get3A_374 : vector<16xf32>
        %get3A_376 = arith.index_cast %add3A_370 : i32 to index
        %get3A_377 = arith.constant 16 : index
        %get3A_378 = tpu.vector_load %arg6[%get3A_376, %get3A_377] {strides = array<i32>} : memref<416x64xf32, #tpu.memory_space<vmem>>, vector<1x16xf32>,
        %get3A_379 = vector.shape_cast %get3A_378 : vector<1x16xf32> to vector<16xf32>
        %add3A_380 = arith.addf %add3A_356, %get3A_379 : vector<16xf32>
        %get3A_381 = arith.index_cast %add3A_370 : i32 to index
        %get3A_382 = arith.constant 32 : index
        %get3A_383 = tpu.vector_load %arg6[%get3A_381, %get3A_382] {strides = array<i32>} : memref<416x64xf32, #tpu.memory_space<vmem>>, vector<1x16xf32>,
        %get3A_384 = vector.shape_cast %get3A_383 : vector<1x16xf32> to vector<16xf32>
        %add3A_385 = arith.addf %add3A_361, %get3A_384 : vector<16xf32>
        %get3A_386 = arith.index_cast %add3A_370 : i32 to index
        %get3A_387 = arith.constant 48 : index
        %get3A_388 = tpu.vector_load %arg6[%get3A_386, %get3A_387] {strides = array<i32>} : memref<416x64xf32, #tpu.memory_space<vmem>>, vector<1x16xf32>,
        %get3A_389 = vector.shape_cast %get3A_388 : vector<1x16xf32> to vector<16xf32>
        %add3A_390 = arith.addf %add3A_366, %get3A_389 : vector<16xf32>
        scf.yield %add3A_375, %add3A_380, %add3A_385, %add3A_390 : vector<16xf32>, vector<16xf32>, vector<16xf32>, vector<16xf32>
      }
      %scan3A_128 = arith.constant 100 : i32
      %swap3A_129 = arith.index_cast %add3A_114 : i32 to index
      %swap3A_130 = arith.constant 0 : index
      %swap3A_131 = tpu.vector_load %arg7[%swap3A_129, %swap3A_130] {strides = array<i32>} : memref<128x64xf32, #tpu.memory_space<vmem>>, vector<1x16xf32>,
      %swap3A_132 = vector.shape_cast %swap3A_131 : vector<1x16xf32> to vector<16xf32>
      %swap3A_133 = vector.shape_cast %scan3A_127#0 : vector<16xf32> to vector<1x16xf32>
      tpu.vector_store %arg7[%swap3A_129, %swap3A_130], %swap3A_133 {strides = array<i32>} : memref<128x64xf32, #tpu.memory_space<vmem>>, vector<1x16xf32>,
      %swap3A_134 = arith.index_cast %add3A_114 : i32 to index
      %swap3A_135 = arith.constant 16 : index
      %swap3A_136 = tpu.vector_load %arg7[%swap3A_134, %swap3A_135] {strides = array<i32>} : memref<128x64xf32, #tpu.memory_space<vmem>>, vector<1x16xf32>,
      %swap3A_137 = vector.shape_cast %swap3A_136 : vector<1x16xf32> to vector<16xf32>
      %swap3A_138 = vector.shape_cast %scan3A_127#1 : vector<16xf32> to vector<1x16xf32>
      tpu.vector_store %arg7[%swap3A_134, %swap3A_135], %swap3A_138 {strides = array<i32>} : memref<128x64xf32, #tpu.memory_space<vmem>>, vector<1x16xf32>,
      %swap3A_139 = arith.index_cast %add3A_114 : i32 to index
      %swap3A_140 = arith.constant 32 : index
      %swap3A_141 = tpu.vector_load %arg7[%swap3A_139, %swap3A_140] {strides = array<i32>} : memref<128x64xf32, #tpu.memory_space<vmem>>, vector<1x16xf32>,
      %swap3A_142 = vector.shape_cast %swap3A_141 : vector<1x16xf32> to vector<16xf32>
      %swap3A_143 = vector.shape_cast %scan3A_127#2 : vector<16xf32> to vector<1x16xf32>
      tpu.vector_store %arg7[%swap3A_139, %swap3A_140], %swap3A_143 {strides = array<i32>} : memref<128x64xf32, #tpu.memory_space<vmem>>, vector<1x16xf32>,
      %swap3A_144 = arith.index_cast %add3A_114 : i32 to index
      %swap3A_145 = arith.constant 48 : index
      %swap3A_146 = tpu.vector_load %arg7[%swap3A_144, %swap3A_145] {strides = array<i32>} : memref<128x64xf32, #tpu.memory_space<vmem>>, vector<1x16xf32>,
      %swap3A_147 = vector.shape_cast %swap3A_146 : vector<1x16xf32> to vector<16xf32>
      %swap3A_148 = vector.shape_cast %scan3A_127#3 : vector<16xf32> to vector<1x16xf32>
      tpu.vector_store %arg7[%swap3A_144, %swap3A_145], %swap3A_148 {strides = array<i32>} : memref<128x64xf32, #tpu.memory_space<vmem>>, vector<1x16xf32>,
    }
    %scan3A_24 = arith.constant 64 : i32
    %mul3A_25 = arith.constant 128 : i32
    %mul3A_26 = arith.muli %add3A, %mul3A_25 : i32
    "tpu.region"() ({
      %run_scoped3A = tpu.sem_alloc : memref<!tpu.dma_semaphore, #tpu.memory_space<semaphore_mem>>
      %dma_start3A_27 = arith.constant 0 : i32
      %dma_start3A_28 = tpu.memref_slice %arg4[%mul3A_26, %dma_start3A_27] : memref<4096x64xf32, #tpu.memory_space<hbm>> -> memref<128x64xf32, #tpu.memory_space<hbm>>
      %dma_start3A_29 = arith.constant 0 : i32
      %dma_start3A_30 = tpu.memref_slice %arg4[%mul3A_26, %dma_start3A_29] : memref<4096x64xf32, #tpu.memory_space<hbm>> -> memref<128x64xf32, #tpu.memory_space<hbm>>
      tpu.enqueue_dma source(%arg7 : memref<128x64xf32, #tpu.memory_space<vmem>>) target(%dma_start3A_30 : memref<128x64xf32, #tpu.memory_space<hbm>>) target_semaphore(%run_scoped3A : memref<!tpu.dma_semaphore, #tpu.memory_space<semaphore_mem>>)
      %dma_wait3A = arith.constant 0 : i32
      %dma_wait3A_31 = tpu.memref_slice %arg4[%mul3A_26, %dma_wait3A] : memref<4096x64xf32, #tpu.memory_space<hbm>> -> memref<128x64xf32, #tpu.memory_space<hbm>>
      %dma_wait3A_32 = arith.constant 0 : i32
      %dma_wait3A_33 = tpu.memref_slice %arg4[%mul3A_26, %dma_wait3A_32] : memref<4096x64xf32, #tpu.memory_space<hbm>> -> memref<128x64xf32, #tpu.memory_space<hbm>>
      tpu.wait_dma2 semaphore(%run_scoped3A : memref<!tpu.dma_semaphore, #tpu.memory_space<semaphore_mem>>) src(%arg7 : memref<128x64xf32, #tpu.memory_space<vmem>>) dst(%dma_wait3A_33 : memref<128x64xf32, #tpu.memory_space<hbm>>)
      tpu.yield
    }) : () -> ()
    return
  }
}

module attributes {stable_mosaic.version = 14 : i64} {
  func.func @_pack_body(%arg0: i32, %arg1: memref<64x4096xf32, #tpu.memory_space<vmem>>, %arg2: memref<2048x128xf32, #tpu.memory_space<vmem>>) attributes {dimension_semantics = [#tpu.dimension_semantics<arbitrary>], iteration_bounds = array<i64: 245>, scalar_prefetch = 0 : i64, scratch_operands = 0 : i64, tpu.core_type = #tpu.core_type<tc>, window_params = [{transform_indices = @transform_0, window_bounds = array<i64: 64, 4096>}, {transform_indices = @transform_1, window_bounds = array<i64: 2048, 128>}]} {
    %get3A = arith.constant 0 : index
    %get3A_0 = arith.constant 0 : index
    %get3A_1 = vector.load %arg1[%get3A, %get3A_0] : memref<64x4096xf32, #tpu.memory_space<vmem>>, vector<64x4096xf32>
    %transpose3A = tpu.transpose %get3A_1, [1, 0] : vector<64x4096xf32> -> vector<4096x64xf32>
    %slice3A = vector.extract_strided_slice %transpose3A {offsets = [0, 0], sizes = [2048, 64], strides = [1, 1]} : vector<4096x64xf32> to vector<2048x64xf32>
    %slice3A_2 = vector.extract_strided_slice %transpose3A {offsets = [2048, 0], sizes = [2048, 64], strides = [1, 1]} : vector<4096x64xf32> to vector<2048x64xf32>
    %concatenate3A = tpu.concatenate %slice3A, %slice3A_2 in 1 : vector<2048x64xf32>, vector<2048x64xf32> -> vector<2048x128xf32>
    %swap3A = arith.constant 0 : index
    %swap3A_3 = arith.constant 0 : index
    %swap3A_4 = vector.load %arg2[%swap3A, %swap3A_3] : memref<2048x128xf32, #tpu.memory_space<vmem>>, vector<2048x128xf32>
    tpu.vector_store %arg2[%swap3A, %swap3A_3], %concatenate3A {strides = array<i32>} : memref<2048x128xf32, #tpu.memory_space<vmem>>, vector<2048x128xf32>,
    return
  }
  func.func @transform_0(%arg0: i32) -> (i32, i32) {
    %c0_i32 = arith.constant 0 : i32
    %c0_i32_0 = arith.constant 0 : i32
    return %c0_i32, %arg0 : i32, i32
  }
  func.func @transform_1(%arg0: i32) -> (i32, i32) {
    %c0_i32 = arith.constant 0 : i32
    %c0_i32_0 = arith.constant 0 : i32
    return %arg0, %c0_i32 : i32, i32
  }
}

module attributes {stable_mosaic.version = 14 : i64} {
  func.func @_mlp_body(%arg0: memref<4096x64xf32, #tpu.memory_space<vmem>>, %arg1: memref<64x256xf32, #tpu.memory_space<vmem>>, %arg2: memref<1x256xf32, #tpu.memory_space<vmem>>, %arg3: memref<256x4xf32, #tpu.memory_space<vmem>>, %arg4: memref<1x4xf32, #tpu.memory_space<vmem>>, %arg5: memref<4096x4xf32, #tpu.memory_space<vmem>>) attributes {dimension_semantics = [], scalar_prefetch = 0 : i64, scratch_operands = 0 : i64, tpu.core_type = #tpu.core_type<tc>} {
    %get3A = arith.constant 0 : index
    %get3A_0 = arith.constant 0 : index
    %get3A_1 = vector.load %arg0[%get3A, %get3A_0] : memref<4096x64xf32, #tpu.memory_space<vmem>>, vector<4096x64xf32>
    %mul3A = arith.constant 5.000000e-03 : f32
    %mul3A_2 = vector.broadcast %mul3A : f32 to vector<4096x64xf32>
    %mul3A_3 = arith.mulf %get3A_1, %mul3A_2 : vector<4096x64xf32>
    %get3A_4 = arith.constant 0 : index
    %get3A_5 = arith.constant 0 : index
    %get3A_6 = vector.load %arg1[%get3A_4, %get3A_5] : memref<64x256xf32, #tpu.memory_space<vmem>>, vector<64x256xf32>
    %dot_general3A = arith.constant dense<0.000000e+00> : vector<4096x256xf32>
    %dot_general3A_7 = tpu.matmul %mul3A_3, %get3A_6, %dot_general3A {dimension_numbers = #tpu.dot_dimension_numbers<[1], [0], [0], [1], [0, 0, 1, 1], [], []>, transpose_lhs_hint = false} : vector<4096x64xf32>, vector<64x256xf32>, vector<4096x256xf32> -> vector<4096x256xf32>
    %get3A_8 = arith.constant 0 : index
    %get3A_9 = arith.constant 0 : index
    %get3A_10 = vector.load %arg2[%get3A_8, %get3A_9] : memref<1x256xf32, #tpu.memory_space<vmem>>, vector<1x256xf32>
    %add3A = vector.broadcast %get3A_10 : vector<1x256xf32> to vector<4096x256xf32>
    %add3A_11 = arith.addf %dot_general3A_7, %add3A : vector<4096x256xf32>
    %max3A = arith.constant 0.000000e+00 : f32
    %max3A_12 = vector.broadcast %max3A : f32 to vector<4096x256xf32>
    %max3A_13 = arith.maximumf %add3A_11, %max3A_12 : vector<4096x256xf32>
    %get3A_14 = arith.constant 0 : index
    %get3A_15 = arith.constant 0 : index
    %get3A_16 = vector.load %arg3[%get3A_14, %get3A_15] : memref<256x4xf32, #tpu.memory_space<vmem>>, vector<256x4xf32>
    %dot_general3A_17 = arith.constant dense<0.000000e+00> : vector<4096x4xf32>
    %dot_general3A_18 = tpu.matmul %max3A_13, %get3A_16, %dot_general3A_17 {dimension_numbers = #tpu.dot_dimension_numbers<[1], [0], [0], [1], [0, 0, 1, 1], [], []>, transpose_lhs_hint = false} : vector<4096x256xf32>, vector<256x4xf32>, vector<4096x4xf32> -> vector<4096x4xf32>
    %get3A_19 = arith.constant 0 : index
    %get3A_20 = arith.constant 0 : index
    %get3A_21 = vector.load %arg4[%get3A_19, %get3A_20] : memref<1x4xf32, #tpu.memory_space<vmem>>, vector<1x4xf32>
    %add3A_22 = vector.broadcast %get3A_21 : vector<1x4xf32> to vector<4096x4xf32>
    %add3A_23 = arith.addf %dot_general3A_18, %add3A_22 : vector<4096x4xf32>
    %swap3A = arith.constant 0 : index
    %swap3A_24 = arith.constant 0 : index
    %swap3A_25 = vector.load %arg5[%swap3A, %swap3A_24] : memref<4096x4xf32, #tpu.memory_space<vmem>>, vector<4096x4xf32>
    tpu.vector_store %arg5[%swap3A, %swap3A_24], %add3A_23 {strides = array<i32>} : memref<4096x4xf32, #tpu.memory_space<vmem>>, vector<4096x4xf32>,
    return
  }
}

</mosaic_0001>

<sc_bundles>
// kernel: kernel.5.cloned.1.call-start
scs
__scs_entry_jumppad:
0x0: {  	(pc) =	sbr.rel $0x88, $3  }
0x1: {  	(tag) =	ssettag $0x0;
	lr =	simm.s32 $0x1  }
0x2: {  	[smem:$0x3F9B] =	sst lr;
	_ =	strace $0xD0000000  }
0x3: {  	_ = 	snop  }
0x4: {  	_ = 	snop  }
0x5: {  	_ = 	snop  }
0x6: {  	_ = 	snop  }
0x7: {  	_ = 	snop  }
__scs_overlays_trampoline_lowered:
0x8: {  	[smem:$0x3FAA] =	sst s0  }
0x9: {  	[smem:$0x3FAB] =	sst s1  }
0xa: {  	[smem:$0x3FAC] =	sst s2  }
0xb: {  	[smem:$0x3FAD] =	sst s3  }
0xc: {  	[smem:$0x3FAE] =	sst s4  }
0xd: {  	[smem:$0x3FAF] =	sst s5  }
0xe: {  	[smem:$0x3FB0] =	sst s6  }
0xf: {  	[smem:$0x3FB1] =	sst s7  }
0x10: {  	[smem:$0x3FB2] =	sst s8  }
0x11: {  	[smem:$0x3FB3] =	sst s9;
	s0 =	simm.s32 @!p0 $0x0  }
0x12: {  	s1 =	sld [smem:$0x3F99];
	s0 =	simm.s32 @p0 $0x1  }
0x13: {  	[smem:$0x3FB4] =	sst s0;
	s0 =	simm.s32 @!p1 $0x0  }
0x14: {  	s2 =	sld [smem:$0x3F98];
	s0 =	simm.s32 @p1 $0x1  }
0x15: {  	[smem:$0x3FB5] =	sst s0;
	s0 =	simm.s32 @!p2 $0x0  }
0x16: {  	s3 =	sld [smem:$0x3FDB];
	s0 =	simm.s32 @p2 $0x1  }
0x17: {  	s4 =	simm.s32 $0x1BF5;
	[smem:$0x3FB7] =	sst s0  }
0x18: {  	s0 =	sld [smem:$0x3F9A];
	_ =	swait.ge [sflag:s4], $0x0  }
0x19: {  	s7 =	sld [smem:$0x3F9B]  }
0x1a: {  	s8 =	sadd.s32 $0xFFFFE003, lr  }
0x1b: {  	s9 =	sadd.s32 $0xFFFFFEF7, lr;
	s5 =	simm.s32 $0xFFFFFFFF;
	p2 =	slt.u32 s8, $0xFFFFF086  }
0x1c: {  	p1 =	slt.u32 s9, $0xF7A;
	s5 =	simm.s32 @!p2 $0x0  }
0x1d: {  	s5 =	simm.s32 @p1 $0x1;
	p0 =	seq.s32 s7, s2  }
0x1e: {  	s7 =	smul.u32 @!p0 $0xF7A, s2;
	p2 =	seq.s32 @!p0 s5, $0x0  }
0x1f: {  	s9 =	smul.u32 $0xF7A, s1;
	s8 =	simm.s32 @!p0 $0x1BF5;
	p2 =	por !p2, p0  }
0x20: {  	[sflag:s8] =	ssyncset.s32 @!p0 $0xFFFFF086;
	s6 =	sadd.s32 @!p0 s3, s7;
	s7 =	simm.s32 @!p0 $0x108  }
0x21: {  	s3 =	sadd.s32 s3, s9;
	s6 =	sadd.s32 @!p0 $0x88, s6;
	s7 =	simm.s32 @p2 $0x1082  }
0x22: {  	[simem:s7], [sflag:s8] =	dma.local @!p0 [hbm:s6], $0xF7A  }
0x23: {  	s9 =	sor.u32 $0xD0000000, s2;
	s6 =	simm.s32 $0x108;
	_ =	swait.ge @!p0 [sflag:s8], $0x0  }
0x24: {  	s3 =	sadd.s32 $0x88, s3;
	s6 =	simm.s32 @!p1 $0x1082;
	[sflag:s4] =	ssyncset.s32 $0xFFFFF086  }
0x25: {  	[simem:s6], [sflag:s4] =	dma.local [hbm:s3], $0xF7A  }
0x26: {  	[smem:$0x3F9B] =	sst s1;
	(tag) =	ssettag s2;
	_ =	strace s9  }
0x27: {  	s1 =	sld [smem:$0x3FAB]  }
0x28: {  	s2 =	sld [smem:$0x3FAC]  }
0x29: {  	s4 =	sld [smem:$0x3FAE]  }
0x2a: {  	p0 =	seq.s32 s5, $0x0;
	s5 =	sld [smem:$0x3FAF]  }
0x2b: {  	s6 =	sld [smem:$0x3FB0]  }
0x2c: {  	s7 =	sld [smem:$0x3FB1]  }
0x2d: {  	s3 =	simm.s32 $0x108;
	s8 =	sld [smem:$0x3FB2]  }
0x2e: {  	s3 =	simm.s32 @!p0 $0x1082;
	s9 =	sld [smem:$0x3FB3]  }
0x2f: {  	lr =	sadd.s32 s0, s3;
	s0 =	sld [smem:$0x3FAA]  }
0x30: {  	s3 =	sld [smem:$0x3FAD]  }
0x31: {  	[smem:$0x3FB6] =	sst s10  }
0x32: {  	s10 =	sld [smem:$0x3FB4];
	_ =	sdelay $0x3  }
0x33: {  	p0 =	seq.s32 s10, $0x1;
	s10 =	sld [smem:$0x3FB6];
	_ =	sdelay $0x3  }
0x34: {  	[smem:$0x3FB6] =	sst s10  }
0x35: {  	s10 =	sld [smem:$0x3FB5];
	_ =	sdelay $0x3  }
0x36: {  	p1 =	seq.s32 s10, $0x1;
	s10 =	sld [smem:$0x3FB6];
	_ =	sdelay $0x3  }
0x37: {  	[smem:$0x3FB6] =	sst s10  }
0x38: {  	s10 =	sld [smem:$0x3FB7]  }
0x39: {  	_ = 	snop;
	(pc) =	sbr.ind lr, $3  }
0x3a: {  	_ = 	snop  }
0x3b: {  	_ = 	snop  }
0x3c: {  	p2 =	seq.s32 s10, $0x1;
	s10 =	sld [smem:$0x3FB6]  }
0x3d: {  	_ =	shalt  }
0x3e: {  	_ =	shalt  }
0x3f: {  	_ =	shalt  }
0x40: {  	_ =	shalt  }
0x41: {  	_ =	shalt  }
0x42: {  	_ =	shalt  }
0x43: {  	_ =	shalt  }
0x44: {  	_ =	shalt  }
0x45: {  	_ =	shalt  }
0x46: {  	_ =	shalt  }
0x47: {  	_ =	shalt  }
0x48: {  	_ =	shalt  }
0x49: {  	_ =	shalt  }
0x4a: {  	_ =	shalt  }
0x4b: {  	_ =	shalt  }
0x4c: {  	_ =	shalt  }
0x4d: {  	_ =	shalt  }
0x4e: {  	_ =	shalt  }
0x4f: {  	_ =	shalt  }
0x50: {  	_ =	shalt  }
0x51: {  	_ =	shalt  }
0x52: {  	_ =	shalt  }
0x53: {  	_ =	shalt  }
0x54: {  	_ =	shalt  }
0x55: {  	_ =	shalt  }
0x56: {  	_ =	shalt  }
0x57: {  	_ =	shalt  }
0x58: {  	_ =	shalt  }
0x59: {  	_ =	shalt  }
0x5a: {  	_ =	shalt  }
0x5b: {  	_ =	shalt  }
0x5c: {  	_ =	shalt  }
0x5d: {  	_ =	shalt  }
0x5e: {  	_ =	shalt  }
0x5f: {  	_ =	shalt  }
0x60: {  	_ =	shalt  }
0x61: {  	_ =	shalt  }
0x62: {  	_ =	shalt  }
0x63: {  	_ =	shalt  }
0x64: {  	_ =	shalt  }
0x65: {  	_ =	shalt  }
0x66: {  	_ =	shalt  }
0x67: {  	_ =	shalt  }
0x68: {  	_ =	shalt  }
0x69: {  	_ =	shalt  }
0x6a: {  	_ =	shalt  }
0x6b: {  	_ =	shalt  }
0x6c: {  	_ =	shalt  }
0x6d: {  	_ =	shalt  }
0x6e: {  	_ =	shalt  }
0x6f: {  	_ =	shalt  }
0x70: {  	_ =	shalt  }
0x71: {  	_ =	shalt  }
0x72: {  	_ =	shalt  }
0x73: {  	_ =	shalt  }
0x74: {  	_ =	shalt  }
0x75: {  	_ =	shalt  }
0x76: {  	_ =	shalt  }
0x77: {  	_ =	shalt  }
0x78: {  	_ =	shalt  }
0x79: {  	_ =	shalt  }
0x7a: {  	_ =	shalt  }
0x7b: {  	_ =	shalt  }
0x7c: {  	_ =	shalt  }
0x7d: {  	_ =	shalt  }
0x7e: {  	_ =	shalt  }
0x7f: {  	_ =	shalt  }
0x80: {  	_ =	shalt  }
0x81: {  	_ =	shalt  }
0x82: {  	_ =	shalt  }
0x83: {  	_ =	shalt  }
0x84: {  	_ =	shalt  }
0x85: {  	_ =	shalt  }
0x86: {  	_ =	shalt  }
0x87: {  	_ =	shalt  }
.Lfunc_end0:
.L_simem_size_0:
called_computation_lowered:
.L_overlay_start_0:
0x88: {  	s2 =	sld [smem:$0x3FD9]  }
0x89: {  	s3 =	sld [smem:$0x3FFE];
	_ =	sdelay $0x1  }
0x8a: {  	s1 =	srdreg.scid  }
0x8b: {  	s0 =	sand.u32 $0x1, s1  }
0x8c: {  	s16 =	sshll.u32 s0, $0xA;
	s2 =	sadd.s32 s3, s2  }
0x8d: {  	s2 =	sadd.s32 s2, s16  }
0x8e: {  	[smem:$0x3FC2] =	sst s2  }
0x8f: {  	_ = 	snop  }
0x90: {  	(tm) =	ssettm $0x1  }
0x91: {  	s17 =	sld [smem:$0x3FFB];
	_ =	sdelay $0x3  }
0x92: {  	_ =	strace s17  }
0x93: {  	s2 =	sld [smem:$0x3FFC];
	_ =	sdelay $0x3  }
0x94: {  	_ =	strace s2  }
0x95: {  	s2 =	sld [smem:$0x3FFD];
	_ =	sdelay $0x3  }
0x96: {  	_ =	strace s2  }
0x97: {  	_ =	strace $0x8FFFFFFF  }
0x98: {  	s18 =	sld [smem:$0x3FDB];
	_ =	sdelay $0x1  }
0x99: {  	s19 =	simm.s32 $_scs_section_size  }
0x9a: {  	s4 =	simm.s32 $_size__tile_overlayer_lowered;
	s5 =	simm.s32 $_tile_overlayer_lowered  }
0x9b: {  	s22 =	simm.s32 $0x1BFF;
	s21 =	sshll.u32 s5, $0x1;
	s2 =	sadd.s32 s19, s18  }
0x9c: {  	s6 =	simm.s32 $0x0;
	s20 =	sshll.u32 s4, $0x1;
	s4 =	sadd.s32 s21, s2  }
0x9d: {  	[timem:s6], [sflag:s22] =	dma.local [hbm:s4], s20  }
0x9e: {  	_ =	swait.ge [sflag:s22], s20  }
0x9f: {  	s3 =	ssub.s32 $0x0, s20;
	[sflag:s22] =	ssyncset.done $0x0  }
0xa0: {  	[sflag:s22] =	ssyncadd.s32 s3;
	_ =	sdelay $0x1  }
0xa1: {  	s23 =	simm.s32 $0x1B8B  }
0xa2: {  	_ =	swait.ge [sflag:s23], $0x1  }
0xa3: {  	[sflag:s23] =	ssyncset.done $0x0  }
0xa4: {  	s25 =	simm.s32 $0x1B8E;
	s24 =	sld [smem:$0x3FFE];
	[sflag:s23] =	ssyncadd.s32 $0xFFFFFFFF  }
0xa5: {  	s26 =	simm.s32 $execute0_lowered;
	[smem:$0x3FD2] =	sst s25  }
0xa6: {  	s4 =	sshll.u32 s26, $0x1;
	_ =	strace $0x80000046;
	[dreg:$0x1] =	wrdreg $0xFFFFFFFF  }
0xa7: {  	s28 =	simm.s32 $_size_execute0_lowered;
	s2 =	sadd.s32 s2, s4;
	[dreg:$0x0] =	wrdreg $0x0  }
0xa8: {  	s4 =	sshll.u32 s28, $0x1;
	[dreg:$0x2] =	wrdreg s2  }
0xa9: {  	[dreg:$0x3] =	wrdreg s4  }
0xaa: {  	[dreg:$0x4] =	wrdreg $0xC0  }
0xab: {  	_ =	task [dreg:s6], $0x5FFFF  }
0xac: {  	[dreg:$0x1] =	wrdreg $0xFFFFFFFF  }
0xad: {  	[dreg:$0x0] =	wrdreg $0x60  }
0xae: {  	[dreg:$0x2] =	wrdreg s24  }
0xaf: {  	[dreg:$0x3] =	wrdreg $0x9  }
0xb0: {  	_ =	task.clear_ibuf [dreg:s6], $0x4FFFF;
	_ =	strace $0x90000046  }
0xb1: {  	s29 =	simm.s32 $0x9;
	_ =	strace $0x80000048  }
0xb2: {  	_ =	swait.ge [sflag:s29], $0x1  }
0xb3: {  	[sflag:s29] =	ssyncadd.s32 $0xFFFFFFFF  }
0xb4: {  	_ =	strace $0x90000048  }
0xb5: {  	_ =	sfence  }
0xb6: {  	s30 =	sld [smem:$0x0];
	_ =	sdelay $0x2  }
0xb7: {  	s31 =	sshll.u32 s1, $0xD;
	s1 =	sshrl.u32 s1, $0x2  }
0xb8: {  	s3 =	sand.u32 $0x4000, s31;
	s1 =	sadd.s32 s1, s30  }
0xb9: {  	s0 =	sor.u32 s3, s0;
	s1 =	sshll.u32 s1, $0x11  }
0xba: {  	s0 =	sor.u32 s1, s0  }
0xbb: {  	s0 =	sadd.s32 $0x8F2B, s0  }
0xbc: {  	[sflag:s0] =	ssyncadd.remote.s32 $0x1  }
0xbd: {  	_ =	sfence.sel $0xFFFF  }
0xbe: {  	[dreg:$0x0] =	wrdreg $0xFFFFFFFF;
	(pc) =	sbr.abs _section_cstart, $3  }
0xbf: {  	[dreg:$0x1] =	wrdreg $0xFFFFFFFF  }
0xc0: {  	_ =	task.clear_ibuf [dreg:s6], $0x2FFFF;
	_ =	strace $0x9FFFFFFF  }
0xc1: {  	(tm) =	ssettm $0x7FFFFFFF  }
tec
execute0_lowered:
.L_overlay_start_1:
0x0: {  	(tag) =	ssettag $0x1  }
0x1: {  	s1 =	srdreg.scid;
	s0 =	stileid.u32  }
0x2: {  	s4 =	rddreg [dreg:$0x0];
	s2 =	simm.s32 $0x0;
	s8 =	simm.s32 $0x64  }
0x3: {  	s9 =	simm.s32 $0x6800;
	s10 =	simm.s32 $0x68;
	s11 =	simm.s32 $0x8200  }
0x4: {  	s12 =	simm.s32 $0x9C00;
	s13 =	simm.s32 $0xB600;
	s14 =	simm.s32 $0x1  }
0x5: {  	s15 =	simm.s32 $0x2;
	s16 =	simm.s32 $0xD000;
	s17 =	simm.s32 $0x0  }
0x6: {  	s3 =	sand.u32 $0x1, s1;
	s5 =	sshll.u32 s0, $0x1;
	[smem:$0x7FF] =	sst s2  }
0x7: {  	s1 =	rddreg [dreg:$0x1];
	s5 =	sor.u32 s3, s5;
	_ =	strace $0x80000047  }
0x8: {  	s7 =	ssub.s32 $0x2, s3;
	s6 =	smul.u32 $0xD00, s5;
	s5 =	sshll.u32 s5, $0xA  }
0x9: {  	s3 =	sadd.s32 $0x1AC00, s4;
	s31 =	sshrl.u32 s7, $0x1;
	s5 =	sadd.s32 s5, s4  }
0xa: {  	s7 =	ssub.s32 s7, s31;
	s6 =	sadd.s32 s6, s4;
	s5 =	sadd.s32 $0x7C2C00, s5  }
0xb: {  	s4 =	sadd.s32 $0xC00, s6;
	s6 =	smax.u32 s7, $0x1;
	s7 =	simm.s32 $0x3  }
.LBB2_1:
0xc: {  	[tilespmem:s2], [sflag:$0x3] =	stream.linear.gather [hbm4b:s4+s2], $0x6800, $0x38;
	[tilespmem:$0xF000] =	vst v63  }
0xd: {  	_ =	swait.ge [sflag:s7], $0x6800  }
0xe: {  	[sflag:s7] =	ssyncset.done $0x0  }
0xf: {  	[sflag:s7] =	ssyncadd.s32 $0xFFFF9800  }
0x10: {  	[tilespmem:s9], [sflag:$0x1] =	stream.indirect.gather [hbm4b:s3+s8], $0x40, s2, s8, $0xb8;
	[tilespmem:$0xF000] =	vst v63  }
0x11: {  	s18 =	simm.s32 $0x0  }
0x12: {  	[tilespmem:s11], [sflag:$0x1] =	stream.indirect.gather [hbm4b:s3+s8], $0x40, s10, s8, $0xb8;
	[tilespmem:$0xF000] =	vst v63  }
.LBB2_2:
0x13: {  	s19 =	sshllo.u32 s18, $0x1  }
0x14: {  	s20 =	smul.u32 $0x340, s19;
	_ =	sdelay $0x1  }
0x15: {  	s20 =	sshra.s32 s20, $0x2  }
0x16: {  	[tilespmem:s12], [sflag:$0x2] =	stream.indirect.gather [hbm4b:s3+s8], $0x40, s20, s8, $0xb8;
	[tilespmem:$0xF000] =	vst v63  }
0x17: {  	s20 =	sadd.s32 $0x68, s20  }
0x18: {  	[tilespmem:s13], [sflag:$0x2] =	stream.indirect.gather [hbm4b:s3+s8], $0x40, s20, s8, $0xb8;
	[tilespmem:$0xF000] =	vst v63  }
0x19: {  	_ =	swait.ge [sflag:s14], $0x3200  }
0x1a: {  	[sflag:s14] =	ssyncset.done $0x0  }
0x1b: {  	s31 =	simm.s32 $0x6940;
	[sflag:s14] =	ssyncadd.s32 $0xFFFFCE00  }
0x1c: {  	v0 =	vld [tilespmem:s31+$0x100]  }
0x1d: {  	v1 =	vld [tilespmem:s31+$0x110]  }
0x1e: {  	v2 =	vld [tilespmem:s31+$0xC0]  }
0x1f: {  	v3 =	vld [tilespmem:s31+$0xD0]  }
0x20: {  	v4 =	vld [tilespmem:s31+$0x80]  }
0x21: {  	v5 =	vld [tilespmem:s31+$0x90]  }
0x22: {  	v6 =	vld [tilespmem:s31+$0x40]  }
0x23: {  	v7 =	vld [tilespmem:s31+$0x50]  }
0x24: {  	v9 =	vld [tilespmem:s31+$0x0]  }
0x25: {  	v10 =	vld [tilespmem:s31+$0x10]  }
0x26: {  	v8 =	vld [tilespmem:s31+$0xFFFFFFC0]  }
0x27: {  	v11 =	vld [tilespmem:s31+$0xFFFFFFD0]  }
0x28: {  	v12 =	vld [tilespmem:s31+$0xFFFFFF80]  }
0x29: {  	v13 =	vld [tilespmem:s31+$0xFFFFFF90]  }
0x2a: {  	v14 =	vld [tilespmem:s31+$0xFFFFFF40]  }
0x2b: {  	v15 =	vld [tilespmem:s31+$0xFFFFFF50]  }
0x2c: {  	v16 =	vld [tilespmem:s31+$0xFFFFFF00]  }
0x2d: {  	v17 =	vld [tilespmem:s31+$0xFFFFFF10]  }
0x2e: {  	v18 =	vld [tilespmem:s31+$0xFFFFFEC0]  }
0x2f: {  	v19 =	vld [tilespmem:s31+$0xFFFFFED0]  }
0x30: {  	v20 =	vld [tilespmem:s31+$0xFFFFFEE0]  }
0x31: {  	v21 =	vld [tilespmem:s31+$0xFFFFFEF0]  }
0x32: {  	v22 =	vld [tilespmem:s31+$0xFFFFFF20]  }
0x33: {  	v23 =	vld [tilespmem:s31+$0xFFFFFF30]  }
0x34: {  	v24 =	vimm.f32 $0.0e+00;
	v25 =	vld [tilespmem:s31+$0xFFFFFF60]  }
0x35: {  	v26 =	vld [tilespmem:s31+$0xFFFFFF70];
	v18 =	vadd.f32 v18, v24;
	v19 =	vadd.f32 v19, v24  }
0x36: {  	v60 =	vld [tilespmem:s31+$0xFFFFFFA0];
	v20 =	vadd.f32 v20, v24;
	v21 =	vadd.f32 v21, v24  }
0x37: {  	v16 =	vadd.f32 v16, v18;
	v17 =	vadd.f32 v17, v19;
	v18 =	vld [tilespmem:s31+$0xFFFFFFB0]  }
0x38: {  	v62 =	vld [tilespmem:s31+$0xFFFFFFE0];
	v19 =	vadd.f32 v22, v20;
	v61 =	vadd.f32 v23, v21  }
0x39: {  	v14 =	vadd.f32 v14, v16;
	v15 =	vadd.f32 v15, v17;
	v16 =	vld [tilespmem:s31+$0xFFFFFFF0]  }
0x3a: {  	v63 =	vld [tilespmem:s31+$0x20];
	v17 =	vadd.f32 v25, v19;
	v19 =	vadd.f32 v26, v61  }
0x3b: {  	v12 =	vadd.f32 v12, v14;
	v13 =	vadd.f32 v13, v15;
	v14 =	vld [tilespmem:s31+$0x30]  }
0x3c: {  	v15 =	vadd.f32 v60, v17;
	v17 =	vadd.f32 v18, v19;
	v18 =	vld [tilespmem:s31+$0x60]  }
0x3d: {  	v12 =	vadd.f32 v8, v12;
	v11 =	vadd.f32 v11, v13;
	v13 =	vld [tilespmem:s31+$0x70]  }
0x3e: {  	v15 =	vadd.f32 v62, v15;
	v8 =	vld [tilespmem:s31+$0xA0];
	v16 =	vadd.f32 v16, v17  }
0x3f: {  	v12 =	vadd.f32 v9, v12;
	v10 =	vadd.f32 v10, v11;
	v11 =	vld [tilespmem:s31+$0xB0]  }
0x40: {  	v15 =	vadd.f32 v63, v15;
	v9 =	vld [tilespmem:s31+$0xE0];
	v16 =	vadd.f32 v14, v16  }
0x41: {  	v6 =	vadd.f32 v6, v12;
	v7 =	vadd.f32 v7, v10;
	v12 =	vld [tilespmem:s31+$0xF0]  }
0x42: {  	v14 =	vadd.f32 v18, v15;
	v10 =	vld [tilespmem:s31+$0x120];
	v15 =	vadd.f32 v13, v16  }
0x43: {  	s21 =	simm.s32 $0x0;
	s22 =	simm.s32 $0x6BC0;
	v13 =	vld [tilespmem:s31+$0x130];
	v16 =	vadd.f32 v4, v6;
	v17 =	vadd.f32 v5, v7  }
.LBB2_3:
0x44: {  	v4 =	vld [tilespmem:s22+$0x100];
	v5 =	vadd.f32 v8, v14;
	v6 =	vadd.f32 v11, v15  }
0x45: {  	v7 =	vld [tilespmem:s22+$0x110];
	v8 =	vadd.f32 v2, v16;
	v11 =	vadd.f32 v3, v17  }
0x46: {  	v2 =	vld [tilespmem:s22+$0xC0];
	v5 =	vadd.f32 v9, v5;
	v6 =	vadd.f32 v12, v6  }
0x47: {  	v3 =	vld [tilespmem:s22+$0xD0];
	v8 =	vadd.f32 v0, v8;
	v9 =	vadd.f32 v1, v11  }
0x48: {  	s20 =	simm.s32 $0x8470;
	v16 =	vld [tilespmem:s22+$0x80];
	v5 =	vadd.f32 v10, v5;
	v6 =	vadd.f32 v13, v6  }
0x49: {  	v13 =	vld [tilespmem:s22+$0x90];
	v0 =	vmov v4  }
0x4a: {  	v4 =	vld [tilespmem:s22+$0x40];
	v1 =	vmov v7  }
0x4b: {  	v7 =	vld [tilespmem:s22+$0x50]  }
0x4c: {  	v10 =	vld [tilespmem:s22+$0x0]  }
0x4d: {  	v11 =	vld [tilespmem:s22+$0x10]  }
0x4e: {  	v12 =	vld [tilespmem:s22+$0xFFFFFFC0]  }
0x4f: {  	v14 =	vld [tilespmem:s22+$0xFFFFFFD0]  }
0x50: {  	v15 =	vld [tilespmem:s22+$0xFFFFFF80]  }
0x51: {  	v17 =	vld [tilespmem:s22+$0xFFFFFF90]  }
0x52: {  	v18 =	vld [tilespmem:s22+$0xFFFFFF40]  }
0x53: {  	v19 =	vld [tilespmem:s22+$0xFFFFFF50]  }
0x54: {  	v20 =	vld [tilespmem:s22+$0xFFFFFF00]  }
0x55: {  	v21 =	vld [tilespmem:s22+$0xFFFFFF10]  }
0x56: {  	v22 =	vld [tilespmem:s22+$0xFFFFFEC0]  }
0x57: {  	v23 =	vld [tilespmem:s22+$0xFFFFFED0]  }
0x58: {  	v24 =	vld [tilespmem:s22+$0xFFFFFEE0]  }
0x59: {  	s21 =	sadd.s32 $0xA, s21;
	v25 =	vld [tilespmem:s22+$0xFFFFFEF0]  }
0x5a: {  	p0 =	slt.u32 s21, $0x5A;
	v26 =	vld [tilespmem:s22+$0xFFFFFF20]  }
0x5b: {  	v27 =	vld [tilespmem:s22+$0xFFFFFF30]  }
0x5c: {  	v28 =	vld [tilespmem:s22+$0xFFFFFF60]  }
0x5d: {  	v8 =	vadd.f32 v22, v8;
	v9 =	vadd.f32 v23, v9;
	v22 =	vld [tilespmem:s22+$0xFFFFFF70]  }
0x5e: {  	v5 =	vadd.f32 v24, v5;
	v6 =	vadd.f32 v25, v6;
	v23 =	vld [tilespmem:s22+$0xFFFFFFA0]  }
0x5f: {  	v8 =	vadd.f32 v20, v8;
	v9 =	vadd.f32 v21, v9;
	v20 =	vld [tilespmem:s22+$0xFFFFFFB0]  }
0x60: {  	v5 =	vadd.f32 v26, v5;
	v6 =	vadd.f32 v27, v6;
	v21 =	vld [tilespmem:s22+$0xFFFFFFE0]  }
0x61: {  	v8 =	vadd.f32 v18, v8;
	v9 =	vadd.f32 v19, v9;
	v18 =	vld [tilespmem:s22+$0xFFFFFFF0]  }
0x62: {  	v5 =	vadd.f32 v28, v5;
	v6 =	vadd.f32 v22, v6;
	v19 =	vld [tilespmem:s22+$0x20]  }
0x63: {  	v8 =	vadd.f32 v15, v8;
	v9 =	vadd.f32 v17, v9;
	v15 =	vld [tilespmem:s22+$0x30]  }
0x64: {  	v5 =	vadd.f32 v23, v5;
	v6 =	vadd.f32 v20, v6;
	v17 =	vld [tilespmem:s22+$0x60]  }
0x65: {  	v12 =	vadd.f32 v12, v8;
	v9 =	vadd.f32 v14, v9;
	v20 =	vld [tilespmem:s22+$0x70]  }
0x66: {  	v5 =	vadd.f32 v21, v5;
	v6 =	vadd.f32 v18, v6;
	v8 =	vld [tilespmem:s22+$0xA0]  }
.Ltmp0:
0x67: {  	v10 =	vadd.f32 v10, v12;
	v12 =	vadd.f32 v11, v9;
	v11 =	vld [tilespmem:s22+$0xB0];
	(pc) =	sbr.rel @p0 .LBB2_3-.Ltmp0, $4  }
0x68: {  	v5 =	vadd.f32 v19, v5;
	v6 =	vadd.f32 v15, v6;
	v9 =	vld [tilespmem:s22+$0xE0]  }
0x69: {  	v4 =	vadd.f32 v4, v10;
	v7 =	vadd.f32 v7, v12;
	v12 =	vld [tilespmem:s22+$0xF0]  }
0x6a: {  	v14 =	vadd.f32 v17, v5;
	v15 =	vadd.f32 v20, v6;
	v10 =	vld [tilespmem:s22+$0x120]  }
0x6b: {  	v16 =	vadd.f32 v16, v4;
	v17 =	vadd.f32 v13, v7;
	v13 =	vld [tilespmem:s22+$0x130];
	s22 =	sadd.s32 $0x280, s22  }
0x6c: {  	v4 =	vld [tilespmem:s20+$0xFFFFFFD0]  }
0x6d: {  	v5 =	vld [tilespmem:s20+$0xFFFFFFE0]  }
0x6e: {  	v6 =	vld [tilespmem:s20+$0xFFFFFF90]  }
0x6f: {  	v7 =	vld [tilespmem:s20+$0xFFFFFFA0]  }
0x70: {  	v18 =	vld [tilespmem:s20+$0xFFFFFF50]  }
0x71: {  	v19 =	vld [tilespmem:s20+$0xFFFFFF60]  }
0x72: {  	v20 =	vld [tilespmem:s20+$0xFFFFFF10]  }
0x73: {  	v21 =	vld [tilespmem:s20+$0xFFFFFF20]  }
0x74: {  	v22 =	vld [tilespmem:s20+$0xFFFFFED0]  }
0x75: {  	v23 =	vld [tilespmem:s20+$0xFFFFFEE0]  }
0x76: {  	v24 =	vld [tilespmem:s20+$0xFFFFFE90]  }
0x77: {  	v25 =	vld [tilespmem:s20+$0xFFFFFEA0]  }
0x78: {  	v26 =	vld [tilespmem:s20+$0xFFFFFE50]  }
0x79: {  	v27 =	vld [tilespmem:s20+$0xFFFFFE60]  }
0x7a: {  	v28 =	vld [tilespmem:s20+$0xFFFFFE10]  }
0x7b: {  	v29 =	vld [tilespmem:s20+$0xFFFFFE20]  }
0x7c: {  	v30 =	vld [tilespmem:s20+$0xFFFFFDD0]  }
0x7d: {  	v31 =	vld [tilespmem:s20+$0xFFFFFDE0]  }
0x7e: {  	v32 =	vld [tilespmem:s20+$0xFFFFFD90]  }
0x7f: {  	v33 =	vld [tilespmem:s20+$0xFFFFFDA0]  }
0x80: {  	v8 =	vadd.f32 v8, v14;
	v11 =	vadd.f32 v11, v15;
	v14 =	vld [tilespmem:s20+$0xFFFFFDB0]  }
0x81: {  	v15 =	vld [tilespmem:s20+$0xFFFFFDC0];
	v2 =	vadd.f32 v2, v16;
	v3 =	vadd.f32 v3, v17  }
0x82: {  	v8 =	vadd.f32 v9, v8;
	v9 =	vadd.f32 v12, v11;
	v11 =	vld [tilespmem:s20+$0xFFFFFDF0]  }
0x83: {  	v0 =	vadd.f32 v0, v2;
	v1 =	vadd.f32 v1, v3;
	v2 =	vld [tilespmem:s20+$0xFFFFFE00]  }
0x84: {  	v3 =	vadd.f32 v10, v8;
	v8 =	vadd.f32 v13, v9;
	v9 =	vld [tilespmem:s20+$0xFFFFFE30]  }
0x85: {  	v10 =	vld [tilespmem:s20+$0xFFFFFE40];
	v0 =	vadd.f32 v32, v0;
	v1 =	vadd.f32 v33, v1  }
0x86: {  	v12 =	vld [tilespmem:s20+$0xFFFFFE70];
	v3 =	vadd.f32 v14, v3;
	v8 =	vadd.f32 v15, v8  }
0x87: {  	v13 =	vld [tilespmem:s20+$0xFFFFFE80];
	v0 =	vadd.f32 v30, v0;
	v1 =	vadd.f32 v31, v1  }
0x88: {  	v3 =	vadd.f32 v11, v3;
	v2 =	vadd.f32 v2, v8;
	v8 =	vld [tilespmem:s20+$0xFFFFFEB0]  }
0x89: {  	v11 =	vld [tilespmem:s20+$0xFFFFFEC0];
	v0 =	vadd.f32 v28, v0;
	v1 =	vadd.f32 v29, v1  }
0x8a: {  	v3 =	vadd.f32 v9, v3;
	v2 =	vadd.f32 v10, v2;
	v9 =	vld [tilespmem:s20+$0xFFFFFEF0]  }
0x8b: {  	v10 =	vld [tilespmem:s20+$0xFFFFFF00];
	v0 =	vadd.f32 v26, v0;
	v1 =	vadd.f32 v27, v1  }
0x8c: {  	v14 =	vld [tilespmem:s20+$0xFFFFFF40];
	v3 =	vadd.f32 v12, v3;
	v2 =	vadd.f32 v13, v2  }
0x8d: {  	v12 =	vld [tilespmem:s20+$0xFFFFFF30];
	v13 =	vadd.f32 v24, v0;
	v1 =	vadd.f32 v25, v1  }
0x8e: {  	v0 =	vld [tilespmem:s20+$0xFFFFFF70];
	v8 =	vadd.f32 v8, v3;
	v2 =	vadd.f32 v11, v2  }
0x8f: {  	v3 =	vld [tilespmem:s20+$0xFFFFFF80];
	v11 =	vadd.f32 v22, v13;
	v1 =	vadd.f32 v23, v1  }
0x90: {  	v9 =	vadd.f32 v9, v8;
	v10 =	vadd.f32 v10, v2;
	v2 =	vld [tilespmem:s20+$0xFFFFFFB0]  }
0x91: {  	v8 =	vld [tilespmem:s20+$0xFFFFFFC0];
	v13 =	vadd.f32 v20, v11;
	v15 =	vadd.f32 v21, v1  }
0x92: {  	v1 =	vld [tilespmem:s20+$0xFFFFFFF0];
	v11 =	vadd.f32 v12, v9;
	v10 =	vadd.f32 v14, v10  }
0x93: {  	s21 =	simm.s32 $0x0;
	v9 =	vld [tilespmem:s20+$0x0];
	s20 =	simm.s32 $0x86F0;
	v13 =	vadd.f32 v18, v13;
	v12 =	vadd.f32 v19, v15  }
.LBB2_5:
0x94: {  	v14 =	vld [tilespmem:s20+$0xFFFFFFD0];
	v0 =	vadd.f32 v0, v11;
	v3 =	vadd.f32 v3, v10  }
0x95: {  	v10 =	vld [tilespmem:s20+$0xFFFFFFE0];
	v11 =	vadd.f32 v6, v13;
	v12 =	vadd.f32 v7, v12  }
0x96: {  	v6 =	vld [tilespmem:s20+$0xFFFFFF90];
	v0 =	vadd.f32 v2, v0;
	v2 =	vadd.f32 v8, v3  }
0x97: {  	v7 =	vld [tilespmem:s20+$0xFFFFFFA0];
	v3 =	vadd.f32 v4, v11;
	v8 =	vadd.f32 v5, v12  }
0x98: {  	v12 =	vld [tilespmem:s20+$0xFFFFFF50];
	v0 =	vadd.f32 v1, v0;
	v1 =	vadd.f32 v9, v2  }
0x99: {  	v9 =	vld [tilespmem:s20+$0xFFFFFF60];
	v4 =	vmov v14  }
0x9a: {  	v11 =	vld [tilespmem:s20+$0xFFFFFF10];
	v5 =	vmov v10  }
0x9b: {  	v10 =	vld [tilespmem:s20+$0xFFFFFF20]  }
0x9c: {  	v2 =	vld [tilespmem:s20+$0xFFFFFED0]  }
0x9d: {  	v13 =	vld [tilespmem:s20+$0xFFFFFEE0]  }
0x9e: {  	v14 =	vld [tilespmem:s20+$0xFFFFFE90]  }
0x9f: {  	v15 =	vld [tilespmem:s20+$0xFFFFFEA0]  }
0xa0: {  	v16 =	vld [tilespmem:s20+$0xFFFFFE50]  }
0xa1: {  	v17 =	vld [tilespmem:s20+$0xFFFFFE60]  }
0xa2: {  	v18 =	vld [tilespmem:s20+$0xFFFFFE10]  }
0xa3: {  	v19 =	vld [tilespmem:s20+$0xFFFFFE20]  }
0xa4: {  	v20 =	vld [tilespmem:s20+$0xFFFFFDD0]  }
0xa5: {  	v21 =	vld [tilespmem:s20+$0xFFFFFDE0]  }
0xa6: {  	v22 =	vld [tilespmem:s20+$0xFFFFFD90]  }
0xa7: {  	v23 =	vld [tilespmem:s20+$0xFFFFFDA0]  }
0xa8: {  	v24 =	vld [tilespmem:s20+$0xFFFFFDB0]  }
0xa9: {  	s21 =	sadd.s32 $0xA, s21;
	v25 =	vld [tilespmem:s20+$0xFFFFFDC0]  }
0xaa: {  	p0 =	slt.u32 s21, $0x5A;
	v26 =	vld [tilespmem:s20+$0xFFFFFDF0]  }
0xab: {  	v27 =	vld [tilespmem:s20+$0xFFFFFE00]  }
0xac: {  	v28 =	vld [tilespmem:s20+$0xFFFFFE30]  }
0xad: {  	v3 =	vadd.f32 v22, v3;
	v8 =	vadd.f32 v23, v8;
	v22 =	vld [tilespmem:s20+$0xFFFFFE40]  }
0xae: {  	v0 =	vadd.f32 v24, v0;
	v1 =	vadd.f32 v25, v1;
	v23 =	vld [tilespmem:s20+$0xFFFFFE70]  }
0xaf: {  	v3 =	vadd.f32 v20, v3;
	v8 =	vadd.f32 v21, v8;
	v20 =	vld [tilespmem:s20+$0xFFFFFE80]  }
0xb0: {  	v0 =	vadd.f32 v26, v0;
	v1 =	vadd.f32 v27, v1;
	v21 =	vld [tilespmem:s20+$0xFFFFFEB0]  }
0xb1: {  	v3 =	vadd.f32 v18, v3;
	v8 =	vadd.f32 v19, v8;
	v18 =	vld [tilespmem:s20+$0xFFFFFEC0]  }
0xb2: {  	v0 =	vadd.f32 v28, v0;
	v1 =	vadd.f32 v22, v1;
	v19 =	vld [tilespmem:s20+$0xFFFFFEF0]  }
0xb3: {  	v3 =	vadd.f32 v16, v3;
	v8 =	vadd.f32 v17, v8;
	v16 =	vld [tilespmem:s20+$0xFFFFFF00]  }
0xb4: {  	v0 =	vadd.f32 v23, v0;
	v1 =	vadd.f32 v20, v1;
	v17 =	vld [tilespmem:s20+$0xFFFFFF30]  }
0xb5: {  	v3 =	vadd.f32 v14, v3;
	v8 =	vadd.f32 v15, v8;
	v14 =	vld [tilespmem:s20+$0xFFFFFF40]  }
0xb6: {  	v15 =	vadd.f32 v21, v0;
	v1 =	vadd.f32 v18, v1;
	v0 =	vld [tilespmem:s20+$0xFFFFFF70]  }
.Ltmp1:
0xb7: {  	v18 =	vadd.f32 v2, v3;
	v8 =	vadd.f32 v13, v8;
	v3 =	vld [tilespmem:s20+$0xFFFFFF80];
	(pc) =	sbr.rel @p0 .LBB2_5-.Ltmp1, $4  }
0xb8: {  	v13 =	vadd.f32 v19, v15;
	v1 =	vadd.f32 v16, v1;
	v2 =	vld [tilespmem:s20+$0xFFFFFFB0]  }
0xb9: {  	v15 =	vadd.f32 v11, v18;
	v16 =	vadd.f32 v10, v8;
	v8 =	vld [tilespmem:s20+$0xFFFFFFC0]  }
0xba: {  	v11 =	vadd.f32 v17, v13;
	v10 =	vadd.f32 v14, v1;
	v1 =	vld [tilespmem:s20+$0xFFFFFFF0]  }
0xbb: {  	v13 =	vadd.f32 v12, v15;
	v12 =	vadd.f32 v9, v16;
	v9 =	vld [tilespmem:s20+$0x0];
	s20 =	sadd.s32 $0x280, s20  }
0xbc: {  	_ = 	snop  }
0xbd: {  	v0 =	vadd.f32 v0, v11;
	v6 =	vadd.f32 v6, v13  }
0xbe: {  	v3 =	vadd.f32 v3, v10;
	v7 =	vadd.f32 v7, v12  }
0xbf: {  	s20 =	sshll.u32 s18, $0x7;
	v0 =	vadd.f32 v2, v0;
	v2 =	vadd.f32 v4, v6  }
0xc0: {  	p0 =	seq.s32 s18, $0x3F;
	s20 =	sand.u32 $0x3FFFFF80, s20;
	v3 =	vadd.f32 v8, v3;
	v4 =	vadd.f32 v5, v7  }
0xc1: {  	s21 =	smul.u32 @!p0 $0x680, s18;
	v0 =	vadd.f32 v1, v0;
	[tilespmem:s20+$0xD000] =	vst v2  }
0xc2: {  	v1 =	vadd.f32 v9, v3;
	[tilespmem:s20+$0xD010] =	vst v4  }
0xc3: {  	s21 =	sshra.s32 @!p0 s21, $0x2;
	[tilespmem:s20+$0xD020] =	vst v0  }
0xc4: {  	s22 =	simm.s32 @!p0 $0x64;
	s23 =	simm.s32 @!p0 $0x6800;
	[tilespmem:s20+$0xD030] =	vst v1;
	s20 =	sadd.s32 @!p0 $0x1A0, s21  }
0xc5: {  	[tilespmem:s23], [sflag:$0x1] =	stream.indirect.gather @!p0 [hbm4b:s3+s22], $0x40, s20, s22, $0xb8;
	[tilespmem:$0xF000] =	vst v63  }
0xc6: {  	s20 =	sadd.s32 @!p0 $0x208, s21;
	s21 =	simm.s32 @!p0 $0x8200  }
0xc7: {  	[tilespmem:s21], [sflag:$0x1] =	stream.indirect.gather @!p0 [hbm4b:s3+s22], $0x40, s20, s22, $0xb8;
	[tilespmem:$0xF000] =	vst v63  }
0xc8: {  	_ =	swait.ge [sflag:s15], $0x3200  }
0xc9: {  	[sflag:s15] =	ssyncset.done $0x0  }
0xca: {  	s31 =	simm.s32 $0x9E70;
	[sflag:s15] =	ssyncadd.s32 $0xFFFFCE00  }
0xcb: {  	v0 =	vld [tilespmem:s31+$0xFFFFFFD0]  }
0xcc: {  	v1 =	vld [tilespmem:s31+$0xFFFFFFE0]  }
0xcd: {  	v2 =	vld [tilespmem:s31+$0xFFFFFF90]  }
0xce: {  	v3 =	vld [tilespmem:s31+$0xFFFFFFA0]  }
0xcf: {  	v4 =	vld [tilespmem:s31+$0xFFFFFF50]  }
0xd0: {  	v5 =	vld [tilespmem:s31+$0xFFFFFF60]  }
0xd1: {  	v6 =	vld [tilespmem:s31+$0xFFFFFF10]  }
0xd2: {  	v7 =	vld [tilespmem:s31+$0xFFFFFF20]  }
0xd3: {  	v9 =	vld [tilespmem:s31+$0xFFFFFED0]  }
0xd4: {  	v10 =	vld [tilespmem:s31+$0xFFFFFEE0]  }
0xd5: {  	v8 =	vld [tilespmem:s31+$0xFFFFFE90]  }
0xd6: {  	v11 =	vld [tilespmem:s31+$0xFFFFFEA0]  }
0xd7: {  	v12 =	vld [tilespmem:s31+$0xFFFFFE50]  }
0xd8: {  	v13 =	vld [tilespmem:s31+$0xFFFFFE60]  }
0xd9: {  	v14 =	vld [tilespmem:s31+$0xFFFFFE10]  }
0xda: {  	v15 =	vld [tilespmem:s31+$0xFFFFFE20]  }
0xdb: {  	v16 =	vld [tilespmem:s31+$0xFFFFFDD0]  }
0xdc: {  	v17 =	vld [tilespmem:s31+$0xFFFFFDE0]  }
0xdd: {  	v18 =	vld [tilespmem:s31+$0xFFFFFD90]  }
0xde: {  	v19 =	vld [tilespmem:s31+$0xFFFFFDA0]  }
0xdf: {  	v20 =	vld [tilespmem:s31+$0xFFFFFDB0]  }
0xe0: {  	v21 =	vld [tilespmem:s31+$0xFFFFFDC0]  }
0xe1: {  	v22 =	vld [tilespmem:s31+$0xFFFFFDF0]  }
0xe2: {  	v23 =	vld [tilespmem:s31+$0xFFFFFE00]  }
0xe3: {  	v24 =	vimm.f32 $0.0e+00;
	v25 =	vld [tilespmem:s31+$0xFFFFFE30]  }
0xe4: {  	v26 =	vld [tilespmem:s31+$0xFFFFFE40];
	v18 =	vadd.f32 v18, v24;
	v19 =	vadd.f32 v19, v24  }
0xe5: {  	v60 =	vld [tilespmem:s31+$0xFFFFFE70];
	v20 =	vadd.f32 v20, v24;
	v21 =	vadd.f32 v21, v24  }
0xe6: {  	v16 =	vadd.f32 v16, v18;
	v17 =	vadd.f32 v17, v19;
	v18 =	vld [tilespmem:s31+$0xFFFFFE80]  }
0xe7: {  	v62 =	vld [tilespmem:s31+$0xFFFFFEB0];
	v19 =	vadd.f32 v22, v20;
	v61 =	vadd.f32 v23, v21  }
0xe8: {  	v14 =	vadd.f32 v14, v16;
	v15 =	vadd.f32 v15, v17;
	v16 =	vld [tilespmem:s31+$0xFFFFFEC0]  }
0xe9: {  	v63 =	vld [tilespmem:s31+$0xFFFFFEF0];
	v17 =	vadd.f32 v25, v19;
	v19 =	vadd.f32 v26, v61  }
0xea: {  	v12 =	vadd.f32 v12, v14;
	v13 =	vadd.f32 v13, v15;
	v14 =	vld [tilespmem:s31+$0xFFFFFF00]  }
0xeb: {  	v15 =	vadd.f32 v60, v17;
	v17 =	vadd.f32 v18, v19;
	v18 =	vld [tilespmem:s31+$0xFFFFFF30]  }
0xec: {  	v12 =	vadd.f32 v8, v12;
	v11 =	vadd.f32 v11, v13;
	v13 =	vld [tilespmem:s31+$0xFFFFFF40]  }
0xed: {  	v15 =	vadd.f32 v62, v15;
	v8 =	vld [tilespmem:s31+$0xFFFFFF70];
	v16 =	vadd.f32 v16, v17  }
0xee: {  	v12 =	vadd.f32 v9, v12;
	v10 =	vadd.f32 v10, v11;
	v11 =	vld [tilespmem:s31+$0xFFFFFF80]  }
0xef: {  	v15 =	vadd.f32 v63, v15;
	v9 =	vld [tilespmem:s31+$0xFFFFFFB0];
	v16 =	vadd.f32 v14, v16  }
0xf0: {  	v6 =	vadd.f32 v6, v12;
	v7 =	vadd.f32 v7, v10;
	v12 =	vld [tilespmem:s31+$0xFFFFFFC0]  }
0xf1: {  	v14 =	vadd.f32 v18, v15;
	v10 =	vld [tilespmem:s31+$0xFFFFFFF0];
	v15 =	vadd.f32 v13, v16  }
0xf2: {  	s20 =	simm.s32 $0x0;
	s21 =	simm.s32 $0xA0F0;
	v13 =	vld [tilespmem:s31+$0x0];
	v16 =	vadd.f32 v4, v6;
	v17 =	vadd.f32 v5, v7  }
.LBB2_7:
0xf3: {  	v4 =	vld [tilespmem:s21+$0xFFFFFFD0];
	v5 =	vadd.f32 v8, v14;
	v6 =	vadd.f32 v11, v15  }
0xf4: {  	v7 =	vld [tilespmem:s21+$0xFFFFFFE0];
	v8 =	vadd.f32 v2, v16;
	v11 =	vadd.f32 v3, v17  }
0xf5: {  	v2 =	vld [tilespmem:s21+$0xFFFFFF90];
	v5 =	vadd.f32 v9, v5;
	v6 =	vadd.f32 v12, v6  }
0xf6: {  	v3 =	vld [tilespmem:s21+$0xFFFFFFA0];
	v8 =	vadd.f32 v0, v8;
	v9 =	vadd.f32 v1, v11  }
0xf7: {  	v16 =	vld [tilespmem:s21+$0xFFFFFF50];
	v5 =	vadd.f32 v10, v5;
	v6 =	vadd.f32 v13, v6  }
0xf8: {  	v13 =	vld [tilespmem:s21+$0xFFFFFF60];
	v0 =	vmov v4  }
0xf9: {  	v4 =	vld [tilespmem:s21+$0xFFFFFF10];
	v1 =	vmov v7  }
0xfa: {  	v7 =	vld [tilespmem:s21+$0xFFFFFF20]  }
0xfb: {  	v10 =	vld [tilespmem:s21+$0xFFFFFED0]  }
0xfc: {  	v11 =	vld [tilespmem:s21+$0xFFFFFEE0]  }
0xfd: {  	v12 =	vld [tilespmem:s21+$0xFFFFFE90]  }
0xfe: {  	v14 =	vld [tilespmem:s21+$0xFFFFFEA0]  }
0xff: {  	v15 =	vld [tilespmem:s21+$0xFFFFFE50]  }
0x100: {  	v17 =	vld [tilespmem:s21+$0xFFFFFE60]  }
0x101: {  	v18 =	vld [tilespmem:s21+$0xFFFFFE10]  }
0x102: {  	v19 =	vld [tilespmem:s21+$0xFFFFFE20]  }
0x103: {  	v20 =	vld [tilespmem:s21+$0xFFFFFDD0]  }
0x104: {  	v21 =	vld [tilespmem:s21+$0xFFFFFDE0]  }
0x105: {  	v22 =	vld [tilespmem:s21+$0xFFFFFD90]  }
0x106: {  	v23 =	vld [tilespmem:s21+$0xFFFFFDA0]  }
0x107: {  	v24 =	vld [tilespmem:s21+$0xFFFFFDB0]  }
0x108: {  	s20 =	sadd.s32 $0xA, s20;
	v25 =	vld [tilespmem:s21+$0xFFFFFDC0]  }
0x109: {  	p0 =	slt.u32 s20, $0x5A;
	v26 =	vld [tilespmem:s21+$0xFFFFFDF0]  }
0x10a: {  	v27 =	vld [tilespmem:s21+$0xFFFFFE00]  }
0x10b: {  	v28 =	vld [tilespmem:s21+$0xFFFFFE30]  }
0x10c: {  	v8 =	vadd.f32 v22, v8;
	v9 =	vadd.f32 v23, v9;
	v22 =	vld [tilespmem:s21+$0xFFFFFE40]  }
0x10d: {  	v5 =	vadd.f32 v24, v5;
	v6 =	vadd.f32 v25, v6;
	v23 =	vld [tilespmem:s21+$0xFFFFFE70]  }
0x10e: {  	v8 =	vadd.f32 v20, v8;
	v9 =	vadd.f32 v21, v9;
	v20 =	vld [tilespmem:s21+$0xFFFFFE80]  }
0x10f: {  	v5 =	vadd.f32 v26, v5;
	v6 =	vadd.f32 v27, v6;
	v21 =	vld [tilespmem:s21+$0xFFFFFEB0]  }
0x110: {  	v8 =	vadd.f32 v18, v8;
	v9 =	vadd.f32 v19, v9;
	v18 =	vld [tilespmem:s21+$0xFFFFFEC0]  }
0x111: {  	v5 =	vadd.f32 v28, v5;
	v6 =	vadd.f32 v22, v6;
	v19 =	vld [tilespmem:s21+$0xFFFFFEF0]  }
0x112: {  	v8 =	vadd.f32 v15, v8;
	v9 =	vadd.f32 v17, v9;
	v15 =	vld [tilespmem:s21+$0xFFFFFF00]  }
0x113: {  	v5 =	vadd.f32 v23, v5;
	v6 =	vadd.f32 v20, v6;
	v17 =	vld [tilespmem:s21+$0xFFFFFF30]  }
0x114: {  	v12 =	vadd.f32 v12, v8;
	v9 =	vadd.f32 v14, v9;
	v20 =	vld [tilespmem:s21+$0xFFFFFF40]  }
0x115: {  	v5 =	vadd.f32 v21, v5;
	v6 =	vadd.f32 v18, v6;
	v8 =	vld [tilespmem:s21+$0xFFFFFF70]  }
.Ltmp2:
0x116: {  	v10 =	vadd.f32 v10, v12;
	v12 =	vadd.f32 v11, v9;
	v11 =	vld [tilespmem:s21+$0xFFFFFF80];
	(pc) =	sbr.rel @p0 .LBB2_7-.Ltmp2, $4  }
0x117: {  	v5 =	vadd.f32 v19, v5;
	v6 =	vadd.f32 v15, v6;
	v9 =	vld [tilespmem:s21+$0xFFFFFFB0]  }
0x118: {  	v4 =	vadd.f32 v4, v10;
	v7 =	vadd.f32 v7, v12;
	v12 =	vld [tilespmem:s21+$0xFFFFFFC0]  }
0x119: {  	v14 =	vadd.f32 v17, v5;
	v15 =	vadd.f32 v20, v6;
	v10 =	vld [tilespmem:s21+$0xFFFFFFF0]  }
0x11a: {  	v16 =	vadd.f32 v16, v4;
	v17 =	vadd.f32 v13, v7;
	v13 =	vld [tilespmem:s21+$0x0];
	s21 =	sadd.s32 $0x280, s21  }
0x11b: {  	s21 =	simm.s32 $0xB600  }
0x11c: {  	v4 =	vld [tilespmem:s21+$0x240]  }
0x11d: {  	v5 =	vld [tilespmem:s21+$0x250]  }
0x11e: {  	v6 =	vld [tilespmem:s21+$0x200]  }
0x11f: {  	v7 =	vld [tilespmem:s21+$0x210]  }
0x120: {  	v18 =	vld [tilespmem:s21+$0x1C0]  }
0x121: {  	v19 =	vld [tilespmem:s21+$0x1D0]  }
0x122: {  	v20 =	vld [tilespmem:s21+$0x180]  }
0x123: {  	v21 =	vld [tilespmem:s21+$0x190]  }
0x124: {  	v22 =	vld [tilespmem:s21+$0x140]  }
0x125: {  	v23 =	vld [tilespmem:s21+$0x150]  }
0x126: {  	v24 =	vld [tilespmem:s21+$0x100]  }
0x127: {  	v25 =	vld [tilespmem:s21+$0x110]  }
0x128: {  	v26 =	vld [tilespmem:s21+$0xC0]  }
0x129: {  	v27 =	vld [tilespmem:s21+$0xD0]  }
0x12a: {  	v28 =	vld [tilespmem:s21+$0x80]  }
0x12b: {  	v29 =	vld [tilespmem:s21+$0x90]  }
0x12c: {  	v30 =	vld [tilespmem:s21+$0x40]  }
0x12d: {  	v31 =	vld [tilespmem:s21+$0x50]  }
0x12e: {  	v32 =	vld [tilespmem:s21+$0x0]  }
0x12f: {  	v33 =	vld [tilespmem:s21+$0x10]  }
0x130: {  	v8 =	vadd.f32 v8, v14;
	v11 =	vadd.f32 v11, v15;
	v14 =	vld [tilespmem:s21+$0x20]  }
0x131: {  	v2 =	vadd.f32 v2, v16;
	v3 =	vadd.f32 v3, v17;
	v15 =	vld [tilespmem:s21+$0x30]  }
0x132: {  	v8 =	vadd.f32 v9, v8;
	v9 =	vadd.f32 v12, v11;
	v11 =	vld [tilespmem:s21+$0x60]  }
0x133: {  	v0 =	vadd.f32 v0, v2;
	v1 =	vadd.f32 v1, v3;
	v2 =	vld [tilespmem:s21+$0x70]  }
0x134: {  	v3 =	vadd.f32 v10, v8;
	v8 =	vadd.f32 v13, v9;
	v9 =	vld [tilespmem:s21+$0xA0]  }
0x135: {  	v10 =	vld [tilespmem:s21+$0xB0];
	v0 =	vadd.f32 v32, v0;
	v1 =	vadd.f32 v33, v1  }
0x136: {  	v12 =	vld [tilespmem:s21+$0xE0];
	v3 =	vadd.f32 v14, v3;
	v8 =	vadd.f32 v15, v8  }
0x137: {  	v13 =	vld [tilespmem:s21+$0xF0];
	v0 =	vadd.f32 v30, v0;
	v1 =	vadd.f32 v31, v1  }
0x138: {  	v3 =	vadd.f32 v11, v3;
	v2 =	vadd.f32 v2, v8;
	v8 =	vld [tilespmem:s21+$0x120]  }
0x139: {  	v11 =	vld [tilespmem:s21+$0x130];
	v0 =	vadd.f32 v28, v0;
	v1 =	vadd.f32 v29, v1  }
0x13a: {  	v3 =	vadd.f32 v9, v3;
	v2 =	vadd.f32 v10, v2;
	v9 =	vld [tilespmem:s21+$0x160]  }
0x13b: {  	v10 =	vld [tilespmem:s21+$0x170];
	v0 =	vadd.f32 v26, v0;
	v1 =	vadd.f32 v27, v1  }
0x13c: {  	v14 =	vld [tilespmem:s21+$0x1B0];
	v3 =	vadd.f32 v12, v3;
	v2 =	vadd.f32 v13, v2  }
0x13d: {  	v12 =	vld [tilespmem:s21+$0x1A0];
	v13 =	vadd.f32 v24, v0;
	v1 =	vadd.f32 v25, v1  }
0x13e: {  	v8 =	vadd.f32 v8, v3;
	v2 =	vadd.f32 v11, v2;
	v0 =	vld [tilespmem:s21+$0x1E0]  }
0x13f: {  	v3 =	vld [tilespmem:s21+$0x1F0];
	v11 =	vadd.f32 v22, v13;
	v13 =	vadd.f32 v23, v1  }
0x140: {  	v9 =	vadd.f32 v9, v8;
	v2 =	vadd.f32 v10, v2;
	v1 =	vld [tilespmem:s21+$0x220]  }
0x141: {  	v8 =	vld [tilespmem:s21+$0x230];
	v15 =	vadd.f32 v20, v11;
	v63 =	vadd.f32 v21, v13  }
0x142: {  	v11 =	vadd.f32 v12, v9;
	v10 =	vadd.f32 v14, v2;
	v2 =	vld [tilespmem:s21+$0x260]  }
0x143: {  	s20 =	simm.s32 $0x0;
	v9 =	vld [tilespmem:s21+$0x270];
	s21 =	simm.s32 $0xB880;
	v13 =	vadd.f32 v18, v15;
	v12 =	vadd.f32 v19, v63  }
.LBB2_9:
0x144: {  	v14 =	vld [tilespmem:s21+$0x240];
	v0 =	vadd.f32 v0, v11;
	v3 =	vadd.f32 v3, v10  }
0x145: {  	v10 =	vld [tilespmem:s21+$0x250];
	v11 =	vadd.f32 v6, v13;
	v12 =	vadd.f32 v7, v12  }
0x146: {  	v6 =	vld [tilespmem:s21+$0x200];
	v0 =	vadd.f32 v1, v0;
	v1 =	vadd.f32 v8, v3  }
0x147: {  	v7 =	vld [tilespmem:s21+$0x210];
	v3 =	vadd.f32 v4, v11;
	v8 =	vadd.f32 v5, v12  }
0x148: {  	v12 =	vld [tilespmem:s21+$0x1C0];
	v0 =	vadd.f32 v2, v0;
	v1 =	vadd.f32 v9, v1  }
0x149: {  	v9 =	vld [tilespmem:s21+$0x1D0];
	v4 =	vmov v14  }
0x14a: {  	v2 =	vld [tilespmem:s21+$0x180];
	v5 =	vmov v10  }
0x14b: {  	v10 =	vld [tilespmem:s21+$0x190]  }
0x14c: {  	v11 =	vld [tilespmem:s21+$0x140]  }
0x14d: {  	v13 =	vld [tilespmem:s21+$0x150]  }
0x14e: {  	v14 =	vld [tilespmem:s21+$0x100]  }
0x14f: {  	v15 =	vld [tilespmem:s21+$0x110]  }
0x150: {  	v16 =	vld [tilespmem:s21+$0xC0]  }
0x151: {  	v17 =	vld [tilespmem:s21+$0xD0]  }
0x152: {  	v18 =	vld [tilespmem:s21+$0x80]  }
0x153: {  	v19 =	vld [tilespmem:s21+$0x90]  }
0x154: {  	v20 =	vld [tilespmem:s21+$0x40]  }
0x155: {  	v21 =	vld [tilespmem:s21+$0x50]  }
0x156: {  	v22 =	vld [tilespmem:s21+$0x0]  }
0x157: {  	v23 =	vld [tilespmem:s21+$0x10]  }
0x158: {  	v24 =	vld [tilespmem:s21+$0x20]  }
0x159: {  	s20 =	sadd.s32 $0xA, s20;
	v25 =	vld [tilespmem:s21+$0x30]  }
0x15a: {  	p0 =	slt.u32 s20, $0x5A;
	v26 =	vld [tilespmem:s21+$0x60]  }
0x15b: {  	v27 =	vld [tilespmem:s21+$0x70]  }
0x15c: {  	v28 =	vld [tilespmem:s21+$0xA0]  }
0x15d: {  	v3 =	vadd.f32 v22, v3;
	v8 =	vadd.f32 v23, v8;
	v22 =	vld [tilespmem:s21+$0xB0]  }
0x15e: {  	v0 =	vadd.f32 v24, v0;
	v1 =	vadd.f32 v25, v1;
	v23 =	vld [tilespmem:s21+$0xE0]  }
0x15f: {  	v3 =	vadd.f32 v20, v3;
	v8 =	vadd.f32 v21, v8;
	v20 =	vld [tilespmem:s21+$0xF0]  }
0x160: {  	v0 =	vadd.f32 v26, v0;
	v1 =	vadd.f32 v27, v1;
	v21 =	vld [tilespmem:s21+$0x120]  }
0x161: {  	v3 =	vadd.f32 v18, v3;
	v8 =	vadd.f32 v19, v8;
	v18 =	vld [tilespmem:s21+$0x130]  }
0x162: {  	v0 =	vadd.f32 v28, v0;
	v1 =	vadd.f32 v22, v1;
	v19 =	vld [tilespmem:s21+$0x160]  }
0x163: {  	v3 =	vadd.f32 v16, v3;
	v8 =	vadd.f32 v17, v8;
	v16 =	vld [tilespmem:s21+$0x170]  }
0x164: {  	v0 =	vadd.f32 v23, v0;
	v1 =	vadd.f32 v20, v1;
	v17 =	vld [tilespmem:s21+$0x1A0]  }
0x165: {  	v3 =	vadd.f32 v14, v3;
	v8 =	vadd.f32 v15, v8;
	v14 =	vld [tilespmem:s21+$0x1B0]  }
0x166: {  	v15 =	vadd.f32 v21, v0;
	v1 =	vadd.f32 v18, v1;
	v0 =	vld [tilespmem:s21+$0x1E0]  }
.Ltmp3:
0x167: {  	v11 =	vadd.f32 v11, v3;
	v8 =	vadd.f32 v13, v8;
	v3 =	vld [tilespmem:s21+$0x1F0];
	(pc) =	sbr.rel @p0 .LBB2_9-.Ltmp3, $4  }
0x168: {  	v13 =	vadd.f32 v19, v15;
	v15 =	vadd.f32 v16, v1;
	v1 =	vld [tilespmem:s21+$0x220]  }
0x169: {  	v16 =	vadd.f32 v2, v11;
	v18 =	vadd.f32 v10, v8;
	v8 =	vld [tilespmem:s21+$0x230]  }
0x16a: {  	v11 =	vadd.f32 v17, v13;
	v10 =	vadd.f32 v14, v15;
	v2 =	vld [tilespmem:s21+$0x260]  }
0x16b: {  	v13 =	vadd.f32 v12, v16;
	v12 =	vadd.f32 v9, v18;
	v9 =	vld [tilespmem:s21+$0x270];
	s21 =	sadd.s32 $0x280, s21  }
0x16c: {  	_ = 	snop  }
0x16d: {  	v0 =	vadd.f32 v0, v11;
	v6 =	vadd.f32 v6, v13  }
0x16e: {  	v3 =	vadd.f32 v3, v10;
	s18 =	sadd.s32 $0x1, s18;
	v7 =	vadd.f32 v7, v12  }
0x16f: {  	s19 =	sshll.u32 s19, $0x6;
	p0 =	sne.s32 s18, $0x40;
	v0 =	vadd.f32 v1, v0;
	v61 =	vadd.f32 v4, v6  }
.Ltmp4:
0x170: {  	s19 =	sand.u32 $0x3FFFFFC0, s19;
	v3 =	vadd.f32 v8, v3;
	v62 =	vadd.f32 v5, v7;
	(pc) =	sbr.rel @p0 .LBB2_2-.Ltmp4, $4  }
0x171: {  	v0 =	vadd.f32 v2, v0;
	[tilespmem:s19+$0xD000] =	vst v61  }
0x172: {  	v63 =	vadd.f32 v9, v3;
	[tilespmem:s19+$0xD010] =	vst v62  }
0x173: {  	[tilespmem:s19+$0xD020] =	vst v0  }
0x174: {  	[tilespmem:s19+$0xD030] =	vst v63  }
0x175: {  	s17 =	sadd.s32 $0x1, s17  }
0x176: {  	p0 =	sne.s32 s17, s6  }
.Ltmp5:
0x177: {  	_ = 	snop;
	(pc) =	sbr.rel @p0 .LBB2_1-.Ltmp5, $4  }
0x178: {  	[hbm4b:s5+s2] =	stream.linear.scatter [tilespmem:s16], [sflag:$0x3], $0x2000, $0x38;
	[tilespmem:$0xF000] =	vst v63  }
0x179: {  	_ =	swait.ge [sflag:s7], $0x2000  }
0x17a: {  	[sflag:s7] =	ssyncset.done $0x0  }
0x17b: {  	[sflag:s7] =	ssyncadd.s32 $0xFFFFE000  }
0x17c: {  	_ =	sfence.sel $0x180000  }
0x17d: {  	[bflag:$0x0] =	sbarrier.arrive $0xFFFF  }
0x17e: {  	p0 =	sne.s32 s0, $0x0;
	_ =	strace $0x90000047  }
0x17f: {  	s0 =	sadd.s32 @!p0 $0x100000, s1;
	[bflag:$0x2] =	sbarrier.arrive $0xFFFF  }
0x180: {  	[sflag:s0] =	ssyncadd.tile.s32 @!p0 $0x1;
	_ =	shalt  }
.Lfunc_end2:
_tile_overlayer_lowered:
.L_overlay_start_2:
0x181: {  	(tag) =	ssettag $0x2  }
0x182: {  	s0 =	rddreg [dreg:$0x0];
	s2 =	stileid.u32  }
0x183: {  	s1 =	rddreg [dreg:$0x1];
	p0 =	sne.s32 s2, $0x0  }
0x184: {  	s3 =	rddreg [dreg:$0x2];
	[bflag:$0x3] =	sbarrier.arrive $0xFFFF;
	s2 =	simm.s32 @!p0 $0x1C03  }
0x185: {  	[timem:s3], [sflag:s2] =	dma.local @!p0 [hbm:s0], s1  }
0x186: {  	s0 =	simm.s32 @!p0 $0x3  }
0x187: {  	_ =	swait.ge @!p0 [sflag:s0], s1  }
0x188: {  	s1 =	ssub.s32 @!p0 $0x0, s1;
	[sflag:s0] =	ssyncset.done @!p0 $0x0  }
0x189: {  	[sflag:s0] =	ssyncadd.s32 @!p0 s1  }
0x18a: {  	[bflag:$0x3] =	sbarrier.arrive $0xFFFF  }
0x18b: {  	_ =	shalt  }

</sc_bundles>
